<compile_context>
chip_gen: v7x
topology: tpu7x:2x2x1
jax: 0.10.2.dev20260603
libtpu: 0.0.44.dev20260713+nightly
codegen_flags: <defaults>
</compile_context>

<pallas_src>
import functools

import jax
import jax.numpy as jnp
from jax import lax
from jax.experimental import pallas as pl
from jax.experimental.pallas import tpu as pltpu
from jax.experimental.pallas import tpu_sc as plsc

_EMBED_DIM = 128
_SEQ_LEN = 200
_BATCH = 4096

_NUM_WORKERS = 32
_B_PER_W = _BATCH // _NUM_WORKERS
_LANES = 16
_INV_L = 1.0 / _SEQ_LEN

_VOCAB_PAD = 100352



_HALF = _VOCAB_PAD // 2
_TW_GRID = 7
_WBLK = _HALF // _TW_GRID


def _contract(w_row, t_blk):
    return lax.dot_general(
        w_row, t_blk,
        dimension_numbers=(((1,), (1,)), ((), ())),
        preferred_element_type=jnp.float32)[0]


def _round_bf16_bits(v):
    return lax.bitcast_convert_type(v, jnp.int32) + 32768


def _tw_body(tlo_ref, thi_ref, w_ref, bias_ref, out_ref, bias16_ref):
    lo = _contract(w_ref[...], tlo_ref[...]) * _INV_L
    hi = _contract(w_ref[...], thi_ref[...]) * _INV_L
    high_mask = jnp.asarray(-65536, jnp.int32)
    out_ref[...] = lax.bitwise_or(
        lax.shift_right_logical(_round_bf16_bits(lo), 16),
        lax.bitwise_and(_round_bf16_bits(hi), high_mask))
    bias16_ref[...] = jnp.full((_LANES,), bias_ref[0], jnp.float32)


def _compute_tw(table, w, bias):
    return pl.pallas_call(
        _tw_body,
        grid=(_TW_GRID,),
        in_specs=[
            pl.BlockSpec((_WBLK, _EMBED_DIM), lambda i: (i, 0)),
            pl.BlockSpec((_WBLK, _EMBED_DIM), lambda i: (i + _TW_GRID, 0)),
            pl.BlockSpec((1, _EMBED_DIM), lambda i: (0, 0)),
            pl.BlockSpec(memory_space=pltpu.SMEM),
        ],
        out_specs=[
            pl.BlockSpec((_WBLK,), lambda i: (i,)),
            pl.BlockSpec((_LANES,), lambda i: (0,)),
        ],
        out_shape=[
            jax.ShapeDtypeStruct((_HALF,), jnp.int32),
            jax.ShapeDtypeStruct((_LANES,), jnp.float32),
        ],
    )(table, table, w, bias)



def _make_sc_gather_sum():
    mesh = plsc.VectorSubcoreMesh(core_axis_name="c", subcore_axis_name="s")

    @functools.partial(
        pl.kernel,
        mesh=mesh,
        compiler_params=pltpu.CompilerParams(needs_layout_passes=False),
        out_type=jax.ShapeDtypeStruct((_BATCH,), jnp.float32),
        scratch_types=[
            pltpu.VMEM((_HALF,), jnp.int32),
            pltpu.VMEM((_SEQ_LEN, _B_PER_W), jnp.int32),
            pltpu.VMEM((_LANES,), jnp.float32),
            pltpu.VMEM((_B_PER_W,), jnp.float32),
            pltpu.SemaphoreType.DMA,
            pltpu.SemaphoreType.DMA,
            pltpu.SemaphoreType.DMA,
        ],
    )
    def sc_kernel(tw_hbm, x_hbm, bias_hbm, out_hbm, tw_v, idx_v, bias_v,
                  out_v, sem_tw, sem_x, sem_b):
        wid = lax.axis_index("s") * 2 + lax.axis_index("c")
        base = wid * _B_PER_W
        cp_x = pltpu.async_copy(x_hbm.at[:, pl.ds(base, _B_PER_W)], idx_v,
                                sem_x)
        cp_tw = pltpu.async_copy(tw_hbm, tw_v, sem_tw)
        cp_b = pltpu.async_copy(bias_hbm, bias_v, sem_b)
        cp_tw.wait()
        cp_x.wait()
        cp_b.wait()

        nv = _B_PER_W // _LANES
        high_mask = jnp.asarray(-65536, jnp.int32)

        def body(l, accs):
            new = []
            for j in range(nv):
                idx = idx_v[l, pl.ds(j * _LANES, _LANES)]
                ge = idx >= _HALF
                word = plsc.load_gather(
                    tw_v, [idx - jnp.where(ge, _HALF, 0)])
                bits = jnp.where(ge,
                                 lax.bitwise_and(word, high_mask),
                                 lax.shift_left(word, 16))
                new.append(accs[j] + plsc.bitcast(bits, jnp.float32))
            return tuple(new)

        def body2(l2, accs):
            return body(2 * l2 + 1, body(2 * l2, accs))

        accs = lax.fori_loop(
            0, _SEQ_LEN // 2, body2,
            tuple(jnp.zeros((_LANES,), jnp.float32) for _ in range(nv)))
        bv = bias_v[...]
        for j in range(nv):
            out_v[pl.ds(j * _LANES, _LANES)] = accs[j] + bv
        pltpu.sync_copy(out_v, out_hbm.at[pl.ds(base, _B_PER_W)])

    return sc_kernel


_sc_gather_sum = _make_sc_gather_sum()


def kernel(x, table, W, b):
    tw_words, bias16 = _compute_tw(table, W, b)
    return _sc_gather_sum(tw_words, x, bias16)

# --- scband reference (transcript-rebuilt; emitter-appended) ---
"""Pipeline reference for scband-baseline-8246337208751 (READ-ONLY COPY).

The authoritative reference and input builder live on the scoring server;
editing this copy changes nothing except your own understanding.
"""

import jax, jax.numpy as jnp
import numpy as np

VOCAB = 100000
EMBED_DIM = 128
SEQ_LEN = 200
BATCH = 4096

def setup_inputs(seed: int = 0) -> dict:
    key = jax.random.key(seed)
    k1, k2, k3, k4 = jax.random.split(key, 4)
    x = jax.random.randint(k1, (SEQ_LEN, BATCH), 0, VOCAB, dtype=jnp.int64 if jax.config.jax_enable_x64 else jnp.int32).astype(jnp.int32)
    table = jax.random.normal(k2, (VOCAB, EMBED_DIM), dtype=jnp.float32) * 0.02
    # nn.Linear(embedding_dim, 1): weight [1, D], bias [1]
    bound = 1.0 / np.sqrt(EMBED_DIM)
    W = jax.random.uniform(k3, (1, EMBED_DIM), dtype=jnp.float32, minval=-bound, maxval=bound)
    b = jax.random.uniform(k4, (1,), dtype=jnp.float32, minval=-bound, maxval=bound)
    return {"x": x, "table": table, "W": W, "b": b}

def reference(x, table, W, b):
    # embedded = self.embedding(x) -> [L, B, D]
    embedded = jnp.take(table, x, axis=0)
    # average = embedded.mean(0) -> [B, D]
    average = jnp.mean(embedded, axis=0)
    # output = self.fc(average).squeeze(1) -> [B]
    output = (average @ W.T + b)
    return jnp.squeeze(output, axis=1)

if __name__ == "__main__":
    import jax
    _d = setup_inputs()
    print(jax.jit(kernel)(*tuple(_d.values())))

</pallas_src>

<mosaic_0001>
#map = affine_map<(d0, d1) -> (0)>
#map1 = affine_map<(d0, d1) -> (0, 0)>
module attributes {stable_mosaic.version = 14 : i64} {
  func.func @sc_kernel(%arg0: i32, %arg1: i32, %arg2: memref<50176xi32, #tpu.memory_space<hbm>>, %arg3: memref<200x4096xi32, #tpu.memory_space<hbm>>, %arg4: memref<16xf32, #tpu.memory_space<hbm>>, %arg5: memref<4096xf32, #tpu.memory_space<hbm>>, %arg6: memref<50176xi32, #tpu.memory_space<vmem>>, %arg7: memref<200x128xi32, #tpu.memory_space<vmem>>, %arg8: memref<16xf32, #tpu.memory_space<vmem>>, %arg9: memref<128xf32, #tpu.memory_space<vmem>>, %arg10: memref<!tpu.dma_semaphore, #tpu.memory_space<semaphore_mem>>, %arg11: memref<!tpu.dma_semaphore, #tpu.memory_space<semaphore_mem>>, %arg12: memref<!tpu.dma_semaphore, #tpu.memory_space<semaphore_mem>>) attributes {dimension_semantics = [#tpu.dimension_semantics<core_parallel>, #tpu.dimension_semantics<subcore_parallel>], iteration_bounds = array<i64: 2, 16>, scalar_prefetch = 0 : i64, scratch_operands = 7 : i64, tpu.core_type = #tpu.core_type<sc_vector_subcore>, window_params = [{transform_indices = #map}, {transform_indices = #map1}, {transform_indices = #map}, {transform_indices = #map}]} {
    %mul3A = arith.constant 2 : i32
    %mul3A_0 = arith.muli %arg1, %mul3A : i32
    %add3A = arith.addi %mul3A_0, %arg0 : i32
    %mul3A_1 = arith.constant 128 : i32
    %mul3A_2 = arith.muli %add3A, %mul3A_1 : i32
    %dma_start3A = arith.constant 0 : i32
    %dma_start3A_3 = tpu.memref_slice %arg3[%dma_start3A, %mul3A_2] : memref<200x4096xi32, #tpu.memory_space<hbm>> -> memref<200x128xi32, #tpu.memory_space<hbm>>
    %dma_start3A_4 = arith.constant 0 : i32
    %dma_start3A_5 = tpu.memref_slice %arg3[%dma_start3A_4, %mul3A_2] : memref<200x4096xi32, #tpu.memory_space<hbm>> -> memref<200x128xi32, #tpu.memory_space<hbm>>
    tpu.enqueue_dma source(%dma_start3A_5 : memref<200x128xi32, #tpu.memory_space<hbm>>) target(%arg7 : memref<200x128xi32, #tpu.memory_space<vmem>>) target_semaphore(%arg11 : memref<!tpu.dma_semaphore, #tpu.memory_space<semaphore_mem>>)
    tpu.enqueue_dma source(%arg2 : memref<50176xi32, #tpu.memory_space<hbm>>) target(%arg6 : memref<50176xi32, #tpu.memory_space<vmem>>) target_semaphore(%arg10 : memref<!tpu.dma_semaphore, #tpu.memory_space<semaphore_mem>>)
    tpu.enqueue_dma source(%arg4 : memref<16xf32, #tpu.memory_space<hbm>>) target(%arg8 : memref<16xf32, #tpu.memory_space<vmem>>) target_semaphore(%arg12 : memref<!tpu.dma_semaphore, #tpu.memory_space<semaphore_mem>>)
    tpu.wait_dma2 semaphore(%arg10 : memref<!tpu.dma_semaphore, #tpu.memory_space<semaphore_mem>>) src(%arg2 : memref<50176xi32, #tpu.memory_space<hbm>>) dst(%arg6 : memref<50176xi32, #tpu.memory_space<vmem>>)
    %dma_wait3A = arith.constant 0 : i32
    %dma_wait3A_6 = tpu.memref_slice %arg3[%dma_wait3A, %mul3A_2] : memref<200x4096xi32, #tpu.memory_space<hbm>> -> memref<200x128xi32, #tpu.memory_space<hbm>>
    %dma_wait3A_7 = arith.constant 0 : i32
    %dma_wait3A_8 = tpu.memref_slice %arg3[%dma_wait3A_7, %mul3A_2] : memref<200x4096xi32, #tpu.memory_space<hbm>> -> memref<200x128xi32, #tpu.memory_space<hbm>>
    tpu.wait_dma2 semaphore(%arg11 : memref<!tpu.dma_semaphore, #tpu.memory_space<semaphore_mem>>) src(%dma_wait3A_8 : memref<200x128xi32, #tpu.memory_space<hbm>>) dst(%arg7 : memref<200x128xi32, #tpu.memory_space<vmem>>)
    tpu.wait_dma2 semaphore(%arg12 : memref<!tpu.dma_semaphore, #tpu.memory_space<semaphore_mem>>) src(%arg4 : memref<16xf32, #tpu.memory_space<hbm>>) dst(%arg8 : memref<16xf32, #tpu.memory_space<vmem>>)
    %broadcast_in_dim3A = arith.constant 0.000000e+00 : f32
    %broadcast_in_dim3A_9 = vector.broadcast %broadcast_in_dim3A : f32 to vector<16xf32>
    %broadcast_in_dim3A_10 = arith.constant 0.000000e+00 : f32
    %broadcast_in_dim3A_11 = vector.broadcast %broadcast_in_dim3A_10 : f32 to vector<16xf32>
    %broadcast_in_dim3A_12 = arith.constant 0.000000e+00 : f32
    %broadcast_in_dim3A_13 = vector.broadcast %broadcast_in_dim3A_12 : f32 to vector<16xf32>
    %broadcast_in_dim3A_14 = arith.constant 0.000000e+00 : f32
    %broadcast_in_dim3A_15 = vector.broadcast %broadcast_in_dim3A_14 : f32 to vector<16xf32>
    %broadcast_in_dim3A_16 = arith.constant 0.000000e+00 : f32
    %broadcast_in_dim3A_17 = vector.broadcast %broadcast_in_dim3A_16 : f32 to vector<16xf32>
    %broadcast_in_dim3A_18 = arith.constant 0.000000e+00 : f32
    %broadcast_in_dim3A_19 = vector.broadcast %broadcast_in_dim3A_18 : f32 to vector<16xf32>
    %broadcast_in_dim3A_20 = arith.constant 0.000000e+00 : f32
    %broadcast_in_dim3A_21 = vector.broadcast %broadcast_in_dim3A_20 : f32 to vector<16xf32>
    %broadcast_in_dim3A_22 = arith.constant 0.000000e+00 : f32
    %broadcast_in_dim3A_23 = vector.broadcast %broadcast_in_dim3A_22 : f32 to vector<16xf32>
    %scan3A = arith.constant -65536 : i32
    %scan3A_24 = arith.constant 0 : i32
    %scan3A_25 = arith.constant 100 : i32
    %scan3A_26 = arith.addi %scan3A_24, %scan3A_25 : i32
    %scan3A_27 = arith.constant 1 : i32
    %scan3A_28:8 = scf.for %scan3A_54 = %scan3A_24 to %scan3A_26 step %scan3A_27 iter_args(%scan3A_55 = %broadcast_in_dim3A_9, %scan3A_56 = %broadcast_in_dim3A_11, %scan3A_57 = %broadcast_in_dim3A_13, %scan3A_58 = %broadcast_in_dim3A_15, %scan3A_59 = %broadcast_in_dim3A_17, %scan3A_60 = %broadcast_in_dim3A_19, %scan3A_61 = %broadcast_in_dim3A_21, %scan3A_62 = %broadcast_in_dim3A_23) -> (vector<16xf32>, vector<16xf32>, vector<16xf32>, vector<16xf32>, vector<16xf32>, vector<16xf32>, vector<16xf32>, vector<16xf32>)  : i32 {
      %mul3A_63 = arith.constant 2 : i32
      %mul3A_64 = arith.muli %mul3A_63, %scan3A_54 : i32
      %add3A_65 = arith.constant 1 : i32
      %add3A_66 = arith.addi %mul3A_64, %add3A_65 : i32
      %mul3A_67 = arith.constant 2 : i32
      %mul3A_68 = arith.muli %mul3A_67, %scan3A_54 : i32
      %get3A_69 = arith.index_cast %mul3A_68 : i32 to index
      %get3A_70 = arith.constant 0 : index
      %get3A_71 = tpu.vector_load %arg7[%get3A_69, %get3A_70] {strides = array<i32>} : memref<200x128xi32, #tpu.memory_space<vmem>>, vector<16xi32>,
      %ge3A = arith.constant 50176 : i32
      %ge3A_72 = vector.broadcast %ge3A : i32 to vector<16xi32>
      %ge3A_73 = arith.cmpi sge, %get3A_71, %ge3A_72 : vector<16xi32>
      %jit3A = arith.constant 50176 : i32
      %jit3A_74 = arith.constant 0 : i32
      %broadcast_in_dim3A_75 = vector.broadcast %jit3A : i32 to vector<16xi32>
      %broadcast_in_dim3A_76 = vector.broadcast %jit3A_74 : i32 to vector<16xi32>
      %select_n3A = arith.select %ge3A_73, %broadcast_in_dim3A_75, %broadcast_in_dim3A_76 : vector<16xi1>, vector<16xi32>
      %sub3A = arith.subi %get3A_71, %select_n3A : vector<16xi32>
      %gather3A = tpu.vector_load_idx %arg6[%sub3A] : memref<50176xi32, #tpu.memory_space<vmem>>[vector<16xi32>], vector<16xi32>,
      %and3A = vector.broadcast %scan3A : i32 to vector<16xi32>
      %and3A_77 = arith.andi %gather3A, %and3A : vector<16xi32>
      %shift_left3A = arith.constant 16 : i32
      %shift_left3A_78 = vector.broadcast %shift_left3A : i32 to vector<16xi32>
      %shift_left3A_79 = arith.shli %gather3A, %shift_left3A_78 : vector<16xi32>
      %select_n3A_80 = arith.select %ge3A_73, %and3A_77, %shift_left3A_79 : vector<16xi1>, vector<16xi32>
      %bitcast3A = vector.bitcast %select_n3A_80 : vector<16xi32> to vector<16xf32>
      %add3A_81 = arith.addf %scan3A_55, %bitcast3A : vector<16xf32>
      %get3A_82 = arith.index_cast %mul3A_68 : i32 to index
      %get3A_83 = arith.constant 16 : index
      %get3A_84 = tpu.vector_load %arg7[%get3A_82, %get3A_83] {strides = array<i32>} : memref<200x128xi32, #tpu.memory_space<vmem>>, vector<16xi32>,
      %ge3A_85 = arith.constant 50176 : i32
      %ge3A_86 = vector.broadcast %ge3A_85 : i32 to vector<16xi32>
      %ge3A_87 = arith.cmpi sge, %get3A_84, %ge3A_86 : vector<16xi32>
      %jit3A_88 = arith.constant 50176 : i32
      %jit3A_89 = arith.constant 0 : i32
      %broadcast_in_dim3A_90 = vector.broadcast %jit3A_88 : i32 to vector<16xi32>
      %broadcast_in_dim3A_91 = vector.broadcast %jit3A_89 : i32 to vector<16xi32>
      %select_n3A_92 = arith.select %ge3A_87, %broadcast_in_dim3A_90, %broadcast_in_dim3A_91 : vector<16xi1>, vector<16xi32>
      %sub3A_93 = arith.subi %get3A_84, %select_n3A_92 : vector<16xi32>
      %gather3A_94 = tpu.vector_load_idx %arg6[%sub3A_93] : memref<50176xi32, #tpu.memory_space<vmem>>[vector<16xi32>], vector<16xi32>,
      %and3A_95 = vector.broadcast %scan3A : i32 to vector<16xi32>
      %and3A_96 = arith.andi %gather3A_94, %and3A_95 : vector<16xi32>
      %shift_left3A_97 = arith.constant 16 : i32
      %shift_left3A_98 = vector.broadcast %shift_left3A_97 : i32 to vector<16xi32>
      %shift_left3A_99 = arith.shli %gather3A_94, %shift_left3A_98 : vector<16xi32>
      %select_n3A_100 = arith.select %ge3A_87, %and3A_96, %shift_left3A_99 : vector<16xi1>, vector<16xi32>
      %bitcast3A_101 = vector.bitcast %select_n3A_100 : vector<16xi32> to vector<16xf32>
      %add3A_102 = arith.addf %scan3A_56, %bitcast3A_101 : vector<16xf32>
      %get3A_103 = arith.index_cast %mul3A_68 : i32 to index
      %get3A_104 = arith.constant 32 : index
      %get3A_105 = tpu.vector_load %arg7[%get3A_103, %get3A_104] {strides = array<i32>} : memref<200x128xi32, #tpu.memory_space<vmem>>, vector<16xi32>,
      %ge3A_106 = arith.constant 50176 : i32
      %ge3A_107 = vector.broadcast %ge3A_106 : i32 to vector<16xi32>
      %ge3A_108 = arith.cmpi sge, %get3A_105, %ge3A_107 : vector<16xi32>
      %jit3A_109 = arith.constant 50176 : i32
      %jit3A_110 = arith.constant 0 : i32
      %broadcast_in_dim3A_111 = vector.broadcast %jit3A_109 : i32 to vector<16xi32>
      %broadcast_in_dim3A_112 = vector.broadcast %jit3A_110 : i32 to vector<16xi32>
      %select_n3A_113 = arith.select %ge3A_108, %broadcast_in_dim3A_111, %broadcast_in_dim3A_112 : vector<16xi1>, vector<16xi32>
      %sub3A_114 = arith.subi %get3A_105, %select_n3A_113 : vector<16xi32>
      %gather3A_115 = tpu.vector_load_idx %arg6[%sub3A_114] : memref<50176xi32, #tpu.memory_space<vmem>>[vector<16xi32>], vector<16xi32>,
      %and3A_116 = vector.broadcast %scan3A : i32 to vector<16xi32>
      %and3A_117 = arith.andi %gather3A_115, %and3A_116 : vector<16xi32>
      %shift_left3A_118 = arith.constant 16 : i32
      %shift_left3A_119 = vector.broadcast %shift_left3A_118 : i32 to vector<16xi32>
      %shift_left3A_120 = arith.shli %gather3A_115, %shift_left3A_119 : vector<16xi32>
      %select_n3A_121 = arith.select %ge3A_108, %and3A_117, %shift_left3A_120 : vector<16xi1>, vector<16xi32>
      %bitcast3A_122 = vector.bitcast %select_n3A_121 : vector<16xi32> to vector<16xf32>
      %add3A_123 = arith.addf %scan3A_57, %bitcast3A_122 : vector<16xf32>
      %get3A_124 = arith.index_cast %mul3A_68 : i32 to index
      %get3A_125 = arith.constant 48 : index
      %get3A_126 = tpu.vector_load %arg7[%get3A_124, %get3A_125] {strides = array<i32>} : memref<200x128xi32, #tpu.memory_space<vmem>>, vector<16xi32>,
      %ge3A_127 = arith.constant 50176 : i32
      %ge3A_128 = vector.broadcast %ge3A_127 : i32 to vector<16xi32>
      %ge3A_129 = arith.cmpi sge, %get3A_126, %ge3A_128 : vector<16xi32>
      %jit3A_130 = arith.constant 50176 : i32
      %jit3A_131 = arith.constant 0 : i32
      %broadcast_in_dim3A_132 = vector.broadcast %jit3A_130 : i32 to vector<16xi32>
      %broadcast_in_dim3A_133 = vector.broadcast %jit3A_131 : i32 to vector<16xi32>
      %select_n3A_134 = arith.select %ge3A_129, %broadcast_in_dim3A_132, %broadcast_in_dim3A_133 : vector<16xi1>, vector<16xi32>
      %sub3A_135 = arith.subi %get3A_126, %select_n3A_134 : vector<16xi32>
      %gather3A_136 = tpu.vector_load_idx %arg6[%sub3A_135] : memref<50176xi32, #tpu.memory_space<vmem>>[vector<16xi32>], vector<16xi32>,
      %and3A_137 = vector.broadcast %scan3A : i32 to vector<16xi32>
      %and3A_138 = arith.andi %gather3A_136, %and3A_137 : vector<16xi32>
      %shift_left3A_139 = arith.constant 16 : i32
      %shift_left3A_140 = vector.broadcast %shift_left3A_139 : i32 to vector<16xi32>
      %shift_left3A_141 = arith.shli %gather3A_136, %shift_left3A_140 : vector<16xi32>
      %select_n3A_142 = arith.select %ge3A_129, %and3A_138, %shift_left3A_141 : vector<16xi1>, vector<16xi32>
      %bitcast3A_143 = vector.bitcast %select_n3A_142 : vector<16xi32> to vector<16xf32>
      %add3A_144 = arith.addf %scan3A_58, %bitcast3A_143 : vector<16xf32>
      %get3A_145 = arith.index_cast %mul3A_68 : i32 to index
      %get3A_146 = arith.constant 64 : index
      %get3A_147 = tpu.vector_load %arg7[%get3A_145, %get3A_146] {strides = array<i32>} : memref<200x128xi32, #tpu.memory_space<vmem>>, vector<16xi32>,
      %ge3A_148 = arith.constant 50176 : i32
      %ge3A_149 = vector.broadcast %ge3A_148 : i32 to vector<16xi32>
      %ge3A_150 = arith.cmpi sge, %get3A_147, %ge3A_149 : vector<16xi32>
      %jit3A_151 = arith.constant 50176 : i32
      %jit3A_152 = arith.constant 0 : i32
      %broadcast_in_dim3A_153 = vector.broadcast %jit3A_151 : i32 to vector<16xi32>
      %broadcast_in_dim3A_154 = vector.broadcast %jit3A_152 : i32 to vector<16xi32>
      %select_n3A_155 = arith.select %ge3A_150, %broadcast_in_dim3A_153, %broadcast_in_dim3A_154 : vector<16xi1>, vector<16xi32>
      %sub3A_156 = arith.subi %get3A_147, %select_n3A_155 : vector<16xi32>
      %gather3A_157 = tpu.vector_load_idx %arg6[%sub3A_156] : memref<50176xi32, #tpu.memory_space<vmem>>[vector<16xi32>], vector<16xi32>,
      %and3A_158 = vector.broadcast %scan3A : i32 to vector<16xi32>
      %and3A_159 = arith.andi %gather3A_157, %and3A_158 : vector<16xi32>
      %shift_left3A_160 = arith.constant 16 : i32
      %shift_left3A_161 = vector.broadcast %shift_left3A_160 : i32 to vector<16xi32>
      %shift_left3A_162 = arith.shli %gather3A_157, %shift_left3A_161 : vector<16xi32>
      %select_n3A_163 = arith.select %ge3A_150, %and3A_159, %shift_left3A_162 : vector<16xi1>, vector<16xi32>
      %bitcast3A_164 = vector.bitcast %select_n3A_163 : vector<16xi32> to vector<16xf32>
      %add3A_165 = arith.addf %scan3A_59, %bitcast3A_164 : vector<16xf32>
      %get3A_166 = arith.index_cast %mul3A_68 : i32 to index
      %get3A_167 = arith.constant 80 : index
      %get3A_168 = tpu.vector_load %arg7[%get3A_166, %get3A_167] {strides = array<i32>} : memref<200x128xi32, #tpu.memory_space<vmem>>, vector<16xi32>,
      %ge3A_169 = arith.constant 50176 : i32
      %ge3A_170 = vector.broadcast %ge3A_169 : i32 to vector<16xi32>
      %ge3A_171 = arith.cmpi sge, %get3A_168, %ge3A_170 : vector<16xi32>
      %jit3A_172 = arith.constant 50176 : i32
      %jit3A_173 = arith.constant 0 : i32
      %broadcast_in_dim3A_174 = vector.broadcast %jit3A_172 : i32 to vector<16xi32>
      %broadcast_in_dim3A_175 = vector.broadcast %jit3A_173 : i32 to vector<16xi32>
      %select_n3A_176 = arith.select %ge3A_171, %broadcast_in_dim3A_174, %broadcast_in_dim3A_175 : vector<16xi1>, vector<16xi32>
      %sub3A_177 = arith.subi %get3A_168, %select_n3A_176 : vector<16xi32>
      %gather3A_178 = tpu.vector_load_idx %arg6[%sub3A_177] : memref<50176xi32, #tpu.memory_space<vmem>>[vector<16xi32>], vector<16xi32>,
      %and3A_179 = vector.broadcast %scan3A : i32 to vector<16xi32>
      %and3A_180 = arith.andi %gather3A_178, %and3A_179 : vector<16xi32>
      %shift_left3A_181 = arith.constant 16 : i32
      %shift_left3A_182 = vector.broadcast %shift_left3A_181 : i32 to vector<16xi32>
      %shift_left3A_183 = arith.shli %gather3A_178, %shift_left3A_182 : vector<16xi32>
      %select_n3A_184 = arith.select %ge3A_171, %and3A_180, %shift_left3A_183 : vector<16xi1>, vector<16xi32>
      %bitcast3A_185 = vector.bitcast %select_n3A_184 : vector<16xi32> to vector<16xf32>
      %add3A_186 = arith.addf %scan3A_60, %bitcast3A_185 : vector<16xf32>
      %get3A_187 = arith.index_cast %mul3A_68 : i32 to index
      %get3A_188 = arith.constant 96 : index
      %get3A_189 = tpu.vector_load %arg7[%get3A_187, %get3A_188] {strides = array<i32>} : memref<200x128xi32, #tpu.memory_space<vmem>>, vector<16xi32>,
      %ge3A_190 = arith.constant 50176 : i32
      %ge3A_191 = vector.broadcast %ge3A_190 : i32 to vector<16xi32>
      %ge3A_192 = arith.cmpi sge, %get3A_189, %ge3A_191 : vector<16xi32>
      %jit3A_193 = arith.constant 50176 : i32
      %jit3A_194 = arith.constant 0 : i32
      %broadcast_in_dim3A_195 = vector.broadcast %jit3A_193 : i32 to vector<16xi32>
      %broadcast_in_dim3A_196 = vector.broadcast %jit3A_194 : i32 to vector<16xi32>
      %select_n3A_197 = arith.select %ge3A_192, %broadcast_in_dim3A_195, %broadcast_in_dim3A_196 : vector<16xi1>, vector<16xi32>
      %sub3A_198 = arith.subi %get3A_189, %select_n3A_197 : vector<16xi32>
      %gather3A_199 = tpu.vector_load_idx %arg6[%sub3A_198] : memref<50176xi32, #tpu.memory_space<vmem>>[vector<16xi32>], vector<16xi32>,
      %and3A_200 = vector.broadcast %scan3A : i32 to vector<16xi32>
      %and3A_201 = arith.andi %gather3A_199, %and3A_200 : vector<16xi32>
      %shift_left3A_202 = arith.constant 16 : i32
      %shift_left3A_203 = vector.broadcast %shift_left3A_202 : i32 to vector<16xi32>
      %shift_left3A_204 = arith.shli %gather3A_199, %shift_left3A_203 : vector<16xi32>
      %select_n3A_205 = arith.select %ge3A_192, %and3A_201, %shift_left3A_204 : vector<16xi1>, vector<16xi32>
      %bitcast3A_206 = vector.bitcast %select_n3A_205 : vector<16xi32> to vector<16xf32>
      %add3A_207 = arith.addf %scan3A_61, %bitcast3A_206 : vector<16xf32>
      %get3A_208 = arith.index_cast %mul3A_68 : i32 to index
      %get3A_209 = arith.constant 112 : index
      %get3A_210 = tpu.vector_load %arg7[%get3A_208, %get3A_209] {strides = array<i32>} : memref<200x128xi32, #tpu.memory_space<vmem>>, vector<16xi32>,
      %ge3A_211 = arith.constant 50176 : i32
      %ge3A_212 = vector.broadcast %ge3A_211 : i32 to vector<16xi32>
      %ge3A_213 = arith.cmpi sge, %get3A_210, %ge3A_212 : vector<16xi32>
      %jit3A_214 = arith.constant 50176 : i32
      %jit3A_215 = arith.constant 0 : i32
      %broadcast_in_dim3A_216 = vector.broadcast %jit3A_214 : i32 to vector<16xi32>
      %broadcast_in_dim3A_217 = vector.broadcast %jit3A_215 : i32 to vector<16xi32>
      %select_n3A_218 = arith.select %ge3A_213, %broadcast_in_dim3A_216, %broadcast_in_dim3A_217 : vector<16xi1>, vector<16xi32>
      %sub3A_219 = arith.subi %get3A_210, %select_n3A_218 : vector<16xi32>
      %gather3A_220 = tpu.vector_load_idx %arg6[%sub3A_219] : memref<50176xi32, #tpu.memory_space<vmem>>[vector<16xi32>], vector<16xi32>,
      %and3A_221 = vector.broadcast %scan3A : i32 to vector<16xi32>
      %and3A_222 = arith.andi %gather3A_220, %and3A_221 : vector<16xi32>
      %shift_left3A_223 = arith.constant 16 : i32
      %shift_left3A_224 = vector.broadcast %shift_left3A_223 : i32 to vector<16xi32>
      %shift_left3A_225 = arith.shli %gather3A_220, %shift_left3A_224 : vector<16xi32>
      %select_n3A_226 = arith.select %ge3A_213, %and3A_222, %shift_left3A_225 : vector<16xi1>, vector<16xi32>
      %bitcast3A_227 = vector.bitcast %select_n3A_226 : vector<16xi32> to vector<16xf32>
      %add3A_228 = arith.addf %scan3A_62, %bitcast3A_227 : vector<16xf32>
      %get3A_229 = arith.index_cast %add3A_66 : i32 to index
      %get3A_230 = arith.constant 0 : index
      %get3A_231 = tpu.vector_load %arg7[%get3A_229, %get3A_230] {strides = array<i32>} : memref<200x128xi32, #tpu.memory_space<vmem>>, vector<16xi32>,
      %ge3A_232 = arith.constant 50176 : i32
      %ge3A_233 = vector.broadcast %ge3A_232 : i32 to vector<16xi32>
      %ge3A_234 = arith.cmpi sge, %get3A_231, %ge3A_233 : vector<16xi32>
      %jit3A_235 = arith.constant 50176 : i32
      %jit3A_236 = arith.constant 0 : i32
      %broadcast_in_dim3A_237 = vector.broadcast %jit3A_235 : i32 to vector<16xi32>
      %broadcast_in_dim3A_238 = vector.broadcast %jit3A_236 : i32 to vector<16xi32>
      %select_n3A_239 = arith.select %ge3A_234, %broadcast_in_dim3A_237, %broadcast_in_dim3A_238 : vector<16xi1>, vector<16xi32>
      %sub3A_240 = arith.subi %get3A_231, %select_n3A_239 : vector<16xi32>
      %gather3A_241 = tpu.vector_load_idx %arg6[%sub3A_240] : memref<50176xi32, #tpu.memory_space<vmem>>[vector<16xi32>], vector<16xi32>,
      %and3A_242 = vector.broadcast %scan3A : i32 to vector<16xi32>
      %and3A_243 = arith.andi %gather3A_241, %and3A_242 : vector<16xi32>
      %shift_left3A_244 = arith.constant 16 : i32
      %shift_left3A_245 = vector.broadcast %shift_left3A_244 : i32 to vector<16xi32>
      %shift_left3A_246 = arith.shli %gather3A_241, %shift_left3A_245 : vector<16xi32>
      %select_n3A_247 = arith.select %ge3A_234, %and3A_243, %shift_left3A_246 : vector<16xi1>, vector<16xi32>
      %bitcast3A_248 = vector.bitcast %select_n3A_247 : vector<16xi32> to vector<16xf32>
      %add3A_249 = arith.addf %add3A_81, %bitcast3A_248 : vector<16xf32>
      %get3A_250 = arith.index_cast %add3A_66 : i32 to index
      %get3A_251 = arith.constant 16 : index
      %get3A_252 = tpu.vector_load %arg7[%get3A_250, %get3A_251] {strides = array<i32>} : memref<200x128xi32, #tpu.memory_space<vmem>>, vector<16xi32>,
      %ge3A_253 = arith.constant 50176 : i32
      %ge3A_254 = vector.broadcast %ge3A_253 : i32 to vector<16xi32>
      %ge3A_255 = arith.cmpi sge, %get3A_252, %ge3A_254 : vector<16xi32>
      %jit3A_256 = arith.constant 50176 : i32
      %jit3A_257 = arith.constant 0 : i32
      %broadcast_in_dim3A_258 = vector.broadcast %jit3A_256 : i32 to vector<16xi32>
      %broadcast_in_dim3A_259 = vector.broadcast %jit3A_257 : i32 to vector<16xi32>
      %select_n3A_260 = arith.select %ge3A_255, %broadcast_in_dim3A_258, %broadcast_in_dim3A_259 : vector<16xi1>, vector<16xi32>
      %sub3A_261 = arith.subi %get3A_252, %select_n3A_260 : vector<16xi32>
      %gather3A_262 = tpu.vector_load_idx %arg6[%sub3A_261] : memref<50176xi32, #tpu.memory_space<vmem>>[vector<16xi32>], vector<16xi32>,
      %and3A_263 = vector.broadcast %scan3A : i32 to vector<16xi32>
      %and3A_264 = arith.andi %gather3A_262, %and3A_263 : vector<16xi32>
      %shift_left3A_265 = arith.constant 16 : i32
      %shift_left3A_266 = vector.broadcast %shift_left3A_265 : i32 to vector<16xi32>
      %shift_left3A_267 = arith.shli %gather3A_262, %shift_left3A_266 : vector<16xi32>
      %select_n3A_268 = arith.select %ge3A_255, %and3A_264, %shift_left3A_267 : vector<16xi1>, vector<16xi32>
      %bitcast3A_269 = vector.bitcast %select_n3A_268 : vector<16xi32> to vector<16xf32>
      %add3A_270 = arith.addf %add3A_102, %bitcast3A_269 : vector<16xf32>
      %get3A_271 = arith.index_cast %add3A_66 : i32 to index
      %get3A_272 = arith.constant 32 : index
      %get3A_273 = tpu.vector_load %arg7[%get3A_271, %get3A_272] {strides = array<i32>} : memref<200x128xi32, #tpu.memory_space<vmem>>, vector<16xi32>,
      %ge3A_274 = arith.constant 50176 : i32
      %ge3A_275 = vector.broadcast %ge3A_274 : i32 to vector<16xi32>
      %ge3A_276 = arith.cmpi sge, %get3A_273, %ge3A_275 : vector<16xi32>
      %jit3A_277 = arith.constant 50176 : i32
      %jit3A_278 = arith.constant 0 : i32
      %broadcast_in_dim3A_279 = vector.broadcast %jit3A_277 : i32 to vector<16xi32>
      %broadcast_in_dim3A_280 = vector.broadcast %jit3A_278 : i32 to vector<16xi32>
      %select_n3A_281 = arith.select %ge3A_276, %broadcast_in_dim3A_279, %broadcast_in_dim3A_280 : vector<16xi1>, vector<16xi32>
      %sub3A_282 = arith.subi %get3A_273, %select_n3A_281 : vector<16xi32>
      %gather3A_283 = tpu.vector_load_idx %arg6[%sub3A_282] : memref<50176xi32, #tpu.memory_space<vmem>>[vector<16xi32>], vector<16xi32>,
      %and3A_284 = vector.broadcast %scan3A : i32 to vector<16xi32>
      %and3A_285 = arith.andi %gather3A_283, %and3A_284 : vector<16xi32>
      %shift_left3A_286 = arith.constant 16 : i32
      %shift_left3A_287 = vector.broadcast %shift_left3A_286 : i32 to vector<16xi32>
      %shift_left3A_288 = arith.shli %gather3A_283, %shift_left3A_287 : vector<16xi32>
      %select_n3A_289 = arith.select %ge3A_276, %and3A_285, %shift_left3A_288 : vector<16xi1>, vector<16xi32>
      %bitcast3A_290 = vector.bitcast %select_n3A_289 : vector<16xi32> to vector<16xf32>
      %add3A_291 = arith.addf %add3A_123, %bitcast3A_290 : vector<16xf32>
      %get3A_292 = arith.index_cast %add3A_66 : i32 to index
      %get3A_293 = arith.constant 48 : index
      %get3A_294 = tpu.vector_load %arg7[%get3A_292, %get3A_293] {strides = array<i32>} : memref<200x128xi32, #tpu.memory_space<vmem>>, vector<16xi32>,
      %ge3A_295 = arith.constant 50176 : i32
      %ge3A_296 = vector.broadcast %ge3A_295 : i32 to vector<16xi32>
      %ge3A_297 = arith.cmpi sge, %get3A_294, %ge3A_296 : vector<16xi32>
      %jit3A_298 = arith.constant 50176 : i32
      %jit3A_299 = arith.constant 0 : i32
      %broadcast_in_dim3A_300 = vector.broadcast %jit3A_298 : i32 to vector<16xi32>
      %broadcast_in_dim3A_301 = vector.broadcast %jit3A_299 : i32 to vector<16xi32>
      %select_n3A_302 = arith.select %ge3A_297, %broadcast_in_dim3A_300, %broadcast_in_dim3A_301 : vector<16xi1>, vector<16xi32>
      %sub3A_303 = arith.subi %get3A_294, %select_n3A_302 : vector<16xi32>
      %gather3A_304 = tpu.vector_load_idx %arg6[%sub3A_303] : memref<50176xi32, #tpu.memory_space<vmem>>[vector<16xi32>], vector<16xi32>,
      %and3A_305 = vector.broadcast %scan3A : i32 to vector<16xi32>
      %and3A_306 = arith.andi %gather3A_304, %and3A_305 : vector<16xi32>
      %shift_left3A_307 = arith.constant 16 : i32
      %shift_left3A_308 = vector.broadcast %shift_left3A_307 : i32 to vector<16xi32>
      %shift_left3A_309 = arith.shli %gather3A_304, %shift_left3A_308 : vector<16xi32>
      %select_n3A_310 = arith.select %ge3A_297, %and3A_306, %shift_left3A_309 : vector<16xi1>, vector<16xi32>
      %bitcast3A_311 = vector.bitcast %select_n3A_310 : vector<16xi32> to vector<16xf32>
      %add3A_312 = arith.addf %add3A_144, %bitcast3A_311 : vector<16xf32>
      %get3A_313 = arith.index_cast %add3A_66 : i32 to index
      %get3A_314 = arith.constant 64 : index
      %get3A_315 = tpu.vector_load %arg7[%get3A_313, %get3A_314] {strides = array<i32>} : memref<200x128xi32, #tpu.memory_space<vmem>>, vector<16xi32>,
      %ge3A_316 = arith.constant 50176 : i32
      %ge3A_317 = vector.broadcast %ge3A_316 : i32 to vector<16xi32>
      %ge3A_318 = arith.cmpi sge, %get3A_315, %ge3A_317 : vector<16xi32>
      %jit3A_319 = arith.constant 50176 : i32
      %jit3A_320 = arith.constant 0 : i32
      %broadcast_in_dim3A_321 = vector.broadcast %jit3A_319 : i32 to vector<16xi32>
      %broadcast_in_dim3A_322 = vector.broadcast %jit3A_320 : i32 to vector<16xi32>
      %select_n3A_323 = arith.select %ge3A_318, %broadcast_in_dim3A_321, %broadcast_in_dim3A_322 : vector<16xi1>, vector<16xi32>
      %sub3A_324 = arith.subi %get3A_315, %select_n3A_323 : vector<16xi32>
      %gather3A_325 = tpu.vector_load_idx %arg6[%sub3A_324] : memref<50176xi32, #tpu.memory_space<vmem>>[vector<16xi32>], vector<16xi32>,
      %and3A_326 = vector.broadcast %scan3A : i32 to vector<16xi32>
      %and3A_327 = arith.andi %gather3A_325, %and3A_326 : vector<16xi32>
      %shift_left3A_328 = arith.constant 16 : i32
      %shift_left3A_329 = vector.broadcast %shift_left3A_328 : i32 to vector<16xi32>
      %shift_left3A_330 = arith.shli %gather3A_325, %shift_left3A_329 : vector<16xi32>
      %select_n3A_331 = arith.select %ge3A_318, %and3A_327, %shift_left3A_330 : vector<16xi1>, vector<16xi32>
      %bitcast3A_332 = vector.bitcast %select_n3A_331 : vector<16xi32> to vector<16xf32>
      %add3A_333 = arith.addf %add3A_165, %bitcast3A_332 : vector<16xf32>
      %get3A_334 = arith.index_cast %add3A_66 : i32 to index
      %get3A_335 = arith.constant 80 : index
      %get3A_336 = tpu.vector_load %arg7[%get3A_334, %get3A_335] {strides = array<i32>} : memref<200x128xi32, #tpu.memory_space<vmem>>, vector<16xi32>,
      %ge3A_337 = arith.constant 50176 : i32
      %ge3A_338 = vector.broadcast %ge3A_337 : i32 to vector<16xi32>
      %ge3A_339 = arith.cmpi sge, %get3A_336, %ge3A_338 : vector<16xi32>
      %jit3A_340 = arith.constant 50176 : i32
      %jit3A_341 = arith.constant 0 : i32
      %broadcast_in_dim3A_342 = vector.broadcast %jit3A_340 : i32 to vector<16xi32>
      %broadcast_in_dim3A_343 = vector.broadcast %jit3A_341 : i32 to vector<16xi32>
      %select_n3A_344 = arith.select %ge3A_339, %broadcast_in_dim3A_342, %broadcast_in_dim3A_343 : vector<16xi1>, vector<16xi32>
      %sub3A_345 = arith.subi %get3A_336, %select_n3A_344 : vector<16xi32>
      %gather3A_346 = tpu.vector_load_idx %arg6[%sub3A_345] : memref<50176xi32, #tpu.memory_space<vmem>>[vector<16xi32>], vector<16xi32>,
      %and3A_347 = vector.broadcast %scan3A : i32 to vector<16xi32>
      %and3A_348 = arith.andi %gather3A_346, %and3A_347 : vector<16xi32>
      %shift_left3A_349 = arith.constant 16 : i32
      %shift_left3A_350 = vector.broadcast %shift_left3A_349 : i32 to vector<16xi32>
      %shift_left3A_351 = arith.shli %gather3A_346, %shift_left3A_350 : vector<16xi32>
      %select_n3A_352 = arith.select %ge3A_339, %and3A_348, %shift_left3A_351 : vector<16xi1>, vector<16xi32>
      %bitcast3A_353 = vector.bitcast %select_n3A_352 : vector<16xi32> to vector<16xf32>
      %add3A_354 = arith.addf %add3A_186, %bitcast3A_353 : vector<16xf32>
      %get3A_355 = arith.index_cast %add3A_66 : i32 to index
      %get3A_356 = arith.constant 96 : index
      %get3A_357 = tpu.vector_load %arg7[%get3A_355, %get3A_356] {strides = array<i32>} : memref<200x128xi32, #tpu.memory_space<vmem>>, vector<16xi32>,
      %ge3A_358 = arith.constant 50176 : i32
      %ge3A_359 = vector.broadcast %ge3A_358 : i32 to vector<16xi32>
      %ge3A_360 = arith.cmpi sge, %get3A_357, %ge3A_359 : vector<16xi32>
      %jit3A_361 = arith.constant 50176 : i32
      %jit3A_362 = arith.constant 0 : i32
      %broadcast_in_dim3A_363 = vector.broadcast %jit3A_361 : i32 to vector<16xi32>
      %broadcast_in_dim3A_364 = vector.broadcast %jit3A_362 : i32 to vector<16xi32>
      %select_n3A_365 = arith.select %ge3A_360, %broadcast_in_dim3A_363, %broadcast_in_dim3A_364 : vector<16xi1>, vector<16xi32>
      %sub3A_366 = arith.subi %get3A_357, %select_n3A_365 : vector<16xi32>
      %gather3A_367 = tpu.vector_load_idx %arg6[%sub3A_366] : memref<50176xi32, #tpu.memory_space<vmem>>[vector<16xi32>], vector<16xi32>,
      %and3A_368 = vector.broadcast %scan3A : i32 to vector<16xi32>
      %and3A_369 = arith.andi %gather3A_367, %and3A_368 : vector<16xi32>
      %shift_left3A_370 = arith.constant 16 : i32
      %shift_left3A_371 = vector.broadcast %shift_left3A_370 : i32 to vector<16xi32>
      %shift_left3A_372 = arith.shli %gather3A_367, %shift_left3A_371 : vector<16xi32>
      %select_n3A_373 = arith.select %ge3A_360, %and3A_369, %shift_left3A_372 : vector<16xi1>, vector<16xi32>
      %bitcast3A_374 = vector.bitcast %select_n3A_373 : vector<16xi32> to vector<16xf32>
      %add3A_375 = arith.addf %add3A_207, %bitcast3A_374 : vector<16xf32>
      %get3A_376 = arith.index_cast %add3A_66 : i32 to index
      %get3A_377 = arith.constant 112 : index
      %get3A_378 = tpu.vector_load %arg7[%get3A_376, %get3A_377] {strides = array<i32>} : memref<200x128xi32, #tpu.memory_space<vmem>>, vector<16xi32>,
      %ge3A_379 = arith.constant 50176 : i32
      %ge3A_380 = vector.broadcast %ge3A_379 : i32 to vector<16xi32>
      %ge3A_381 = arith.cmpi sge, %get3A_378, %ge3A_380 : vector<16xi32>
      %jit3A_382 = arith.constant 50176 : i32
      %jit3A_383 = arith.constant 0 : i32
      %broadcast_in_dim3A_384 = vector.broadcast %jit3A_382 : i32 to vector<16xi32>
      %broadcast_in_dim3A_385 = vector.broadcast %jit3A_383 : i32 to vector<16xi32>
      %select_n3A_386 = arith.select %ge3A_381, %broadcast_in_dim3A_384, %broadcast_in_dim3A_385 : vector<16xi1>, vector<16xi32>
      %sub3A_387 = arith.subi %get3A_378, %select_n3A_386 : vector<16xi32>
      %gather3A_388 = tpu.vector_load_idx %arg6[%sub3A_387] : memref<50176xi32, #tpu.memory_space<vmem>>[vector<16xi32>], vector<16xi32>,
      %and3A_389 = vector.broadcast %scan3A : i32 to vector<16xi32>
      %and3A_390 = arith.andi %gather3A_388, %and3A_389 : vector<16xi32>
      %shift_left3A_391 = arith.constant 16 : i32
      %shift_left3A_392 = vector.broadcast %shift_left3A_391 : i32 to vector<16xi32>
      %shift_left3A_393 = arith.shli %gather3A_388, %shift_left3A_392 : vector<16xi32>
      %select_n3A_394 = arith.select %ge3A_381, %and3A_390, %shift_left3A_393 : vector<16xi1>, vector<16xi32>
      %bitcast3A_395 = vector.bitcast %select_n3A_394 : vector<16xi32> to vector<16xf32>
      %add3A_396 = arith.addf %add3A_228, %bitcast3A_395 : vector<16xf32>
      scf.yield %add3A_249, %add3A_270, %add3A_291, %add3A_312, %add3A_333, %add3A_354, %add3A_375, %add3A_396 : vector<16xf32>, vector<16xf32>, vector<16xf32>, vector<16xf32>, vector<16xf32>, vector<16xf32>, vector<16xf32>, vector<16xf32>
    }
    %scan3A_29 = arith.constant 100 : i32
    %get3A = arith.constant 0 : index
    %get3A_30 = tpu.vector_load %arg8[%get3A] {strides = array<i32>} : memref<16xf32, #tpu.memory_space<vmem>>, vector<16xf32>,
    %add3A_31 = arith.addf %scan3A_28#0, %get3A_30 : vector<16xf32>
    %swap3A = arith.constant 0 : index
    %swap3A_32 = tpu.vector_load %arg9[%swap3A] {strides = array<i32>} : memref<128xf32, #tpu.memory_space<vmem>>, vector<16xf32>,
    tpu.vector_store %arg9[%swap3A], %add3A_31 {strides = array<i32>} : memref<128xf32, #tpu.memory_space<vmem>>, vector<16xf32>,
    %add3A_33 = arith.addf %scan3A_28#1, %get3A_30 : vector<16xf32>
    %swap3A_34 = arith.constant 16 : index
    %swap3A_35 = tpu.vector_load %arg9[%swap3A_34] {strides = array<i32>} : memref<128xf32, #tpu.memory_space<vmem>>, vector<16xf32>,
    tpu.vector_store %arg9[%swap3A_34], %add3A_33 {strides = array<i32>} : memref<128xf32, #tpu.memory_space<vmem>>, vector<16xf32>,
    %add3A_36 = arith.addf %scan3A_28#2, %get3A_30 : vector<16xf32>
    %swap3A_37 = arith.constant 32 : index
    %swap3A_38 = tpu.vector_load %arg9[%swap3A_37] {strides = array<i32>} : memref<128xf32, #tpu.memory_space<vmem>>, vector<16xf32>,
    tpu.vector_store %arg9[%swap3A_37], %add3A_36 {strides = array<i32>} : memref<128xf32, #tpu.memory_space<vmem>>, vector<16xf32>,
    %add3A_39 = arith.addf %scan3A_28#3, %get3A_30 : vector<16xf32>
    %swap3A_40 = arith.constant 48 : index
    %swap3A_41 = tpu.vector_load %arg9[%swap3A_40] {strides = array<i32>} : memref<128xf32, #tpu.memory_space<vmem>>, vector<16xf32>,
    tpu.vector_store %arg9[%swap3A_40], %add3A_39 {strides = array<i32>} : memref<128xf32, #tpu.memory_space<vmem>>, vector<16xf32>,
    %add3A_42 = arith.addf %scan3A_28#4, %get3A_30 : vector<16xf32>
    %swap3A_43 = arith.constant 64 : index
    %swap3A_44 = tpu.vector_load %arg9[%swap3A_43] {strides = array<i32>} : memref<128xf32, #tpu.memory_space<vmem>>, vector<16xf32>,
    tpu.vector_store %arg9[%swap3A_43], %add3A_42 {strides = array<i32>} : memref<128xf32, #tpu.memory_space<vmem>>, vector<16xf32>,
    %add3A_45 = arith.addf %scan3A_28#5, %get3A_30 : vector<16xf32>
    %swap3A_46 = arith.constant 80 : index
    %swap3A_47 = tpu.vector_load %arg9[%swap3A_46] {strides = array<i32>} : memref<128xf32, #tpu.memory_space<vmem>>, vector<16xf32>,
    tpu.vector_store %arg9[%swap3A_46], %add3A_45 {strides = array<i32>} : memref<128xf32, #tpu.memory_space<vmem>>, vector<16xf32>,
    %add3A_48 = arith.addf %scan3A_28#6, %get3A_30 : vector<16xf32>
    %swap3A_49 = arith.constant 96 : index
    %swap3A_50 = tpu.vector_load %arg9[%swap3A_49] {strides = array<i32>} : memref<128xf32, #tpu.memory_space<vmem>>, vector<16xf32>,
    tpu.vector_store %arg9[%swap3A_49], %add3A_48 {strides = array<i32>} : memref<128xf32, #tpu.memory_space<vmem>>, vector<16xf32>,
    %add3A_51 = arith.addf %scan3A_28#7, %get3A_30 : vector<16xf32>
    %swap3A_52 = arith.constant 112 : index
    %swap3A_53 = tpu.vector_load %arg9[%swap3A_52] {strides = array<i32>} : memref<128xf32, #tpu.memory_space<vmem>>, vector<16xf32>,
    tpu.vector_store %arg9[%swap3A_52], %add3A_51 {strides = array<i32>} : memref<128xf32, #tpu.memory_space<vmem>>, vector<16xf32>,
    "tpu.region"() ({
      %run_scoped3A = tpu.sem_alloc : memref<!tpu.dma_semaphore, #tpu.memory_space<semaphore_mem>>
      %dma_start3A_54 = tpu.memref_slice %arg5[%mul3A_2] : memref<4096xf32, #tpu.memory_space<hbm>> -> memref<128xf32, #tpu.memory_space<hbm>>
      %dma_start3A_55 = tpu.memref_slice %arg5[%mul3A_2] : memref<4096xf32, #tpu.memory_space<hbm>> -> memref<128xf32, #tpu.memory_space<hbm>>
      tpu.enqueue_dma source(%arg9 : memref<128xf32, #tpu.memory_space<vmem>>) target(%dma_start3A_55 : memref<128xf32, #tpu.memory_space<hbm>>) target_semaphore(%run_scoped3A : memref<!tpu.dma_semaphore, #tpu.memory_space<semaphore_mem>>)
      %dma_wait3A_56 = tpu.memref_slice %arg5[%mul3A_2] : memref<4096xf32, #tpu.memory_space<hbm>> -> memref<128xf32, #tpu.memory_space<hbm>>
      %dma_wait3A_57 = tpu.memref_slice %arg5[%mul3A_2] : memref<4096xf32, #tpu.memory_space<hbm>> -> memref<128xf32, #tpu.memory_space<hbm>>
      tpu.wait_dma2 semaphore(%run_scoped3A : memref<!tpu.dma_semaphore, #tpu.memory_space<semaphore_mem>>) src(%arg9 : memref<128xf32, #tpu.memory_space<vmem>>) dst(%dma_wait3A_57 : memref<128xf32, #tpu.memory_space<hbm>>)
      tpu.yield
    }) : () -> ()
    return
  }
}

module attributes {stable_mosaic.version = 14 : i64} {
  func.func @_tw_body(%arg0: i32, %arg1: memref<7168x128xf32, #tpu.memory_space<vmem>>, %arg2: memref<7168x128xf32, #tpu.memory_space<vmem>>, %arg3: memref<1x128xf32, #tpu.memory_space<vmem>>, %arg4: memref<1xf32, #tpu.memory_space<smem>>, %arg5: memref<7168xi32, #tpu.memory_space<vmem>>, %arg6: memref<16xf32, #tpu.memory_space<vmem>>) attributes {dimension_semantics = [#tpu.dimension_semantics<arbitrary>], iteration_bounds = array<i64: 7>, scalar_prefetch = 0 : i64, scratch_operands = 0 : i64, tpu.core_type = #tpu.core_type<tc>, window_params = [{transform_indices = @transform_0, window_bounds = array<i64: 7168, 128>}, {transform_indices = @transform_1, window_bounds = array<i64: 7168, 128>}, {pipeline_mode = #tpu.pipeline_mode<synchronous>, transform_indices = @transform_2, window_bounds = array<i64: 1, 128>}, {transform_indices = @transform_3, window_bounds = array<i64: 1>}, {transform_indices = @transform_4, window_bounds = array<i64: 7168>}, {pipeline_mode = #tpu.pipeline_mode<synchronous>, transform_indices = @transform_5, window_bounds = array<i64: 16>}]} {
    %get3A = arith.constant 0 : index
    %get3A_0 = arith.constant 0 : index
    %get3A_1 = vector.load %arg3[%get3A, %get3A_0] : memref<1x128xf32, #tpu.memory_space<vmem>>, vector<1x128xf32>
    %get3A_2 = arith.constant 0 : index
    %get3A_3 = arith.constant 0 : index
    %get3A_4 = vector.load %arg1[%get3A_2, %get3A_3] : memref<7168x128xf32, #tpu.memory_space<vmem>>, vector<7168x128xf32>
    %dot_general3A = arith.constant dense<0.000000e+00> : vector<1x7168xf32>
    %dot_general3A_5 = tpu.matmul %get3A_1, %get3A_4, %dot_general3A {dimension_numbers = #tpu.dot_dimension_numbers<[1], [1], [0], [0], [0, 0, 1, 0], [], []>, transpose_lhs_hint = false} : vector<1x128xf32>, vector<7168x128xf32>, vector<1x7168xf32> -> vector<1x7168xf32>
    %squeeze3A = vector.shape_cast %dot_general3A_5 : vector<1x7168xf32> to vector<7168xf32>
    %mul3A = arith.constant 5.000000e-03 : f32
    %mul3A_6 = vector.broadcast %mul3A : f32 to vector<7168xf32>
    %mul3A_7 = arith.mulf %squeeze3A, %mul3A_6 : vector<7168xf32>
    %get3A_8 = arith.constant 0 : index
    %get3A_9 = arith.constant 0 : index
    %get3A_10 = vector.load %arg3[%get3A_8, %get3A_9] : memref<1x128xf32, #tpu.memory_space<vmem>>, vector<1x128xf32>
    %get3A_11 = arith.constant 0 : index
    %get3A_12 = arith.constant 0 : index
    %get3A_13 = vector.load %arg2[%get3A_11, %get3A_12] : memref<7168x128xf32, #tpu.memory_space<vmem>>, vector<7168x128xf32>
    %dot_general3A_14 = arith.constant dense<0.000000e+00> : vector<1x7168xf32>
    %dot_general3A_15 = tpu.matmul %get3A_10, %get3A_13, %dot_general3A_14 {dimension_numbers = #tpu.dot_dimension_numbers<[1], [1], [0], [0], [0, 0, 1, 0], [], []>, transpose_lhs_hint = false} : vector<1x128xf32>, vector<7168x128xf32>, vector<1x7168xf32> -> vector<1x7168xf32>
    %squeeze3A_16 = vector.shape_cast %dot_general3A_15 : vector<1x7168xf32> to vector<7168xf32>
    %mul3A_17 = arith.constant 5.000000e-03 : f32
    %mul3A_18 = vector.broadcast %mul3A_17 : f32 to vector<7168xf32>
    %mul3A_19 = arith.mulf %squeeze3A_16, %mul3A_18 : vector<7168xf32>
    %bitcast_convert_type3A = tpu.bitcast %mul3A_7 : vector<7168xf32> -> vector<7168xi32>
    %add3A = arith.constant 32768 : i32
    %add3A_20 = vector.broadcast %add3A : i32 to vector<7168xi32>
    %add3A_21 = arith.addi %bitcast_convert_type3A, %add3A_20 : vector<7168xi32>
    %shift_right_logical3A = arith.constant 16 : i32
    %shift_right_logical3A_22 = vector.broadcast %shift_right_logical3A : i32 to vector<7168xi32>
    %shift_right_logical3A_23 = arith.shrui %add3A_21, %shift_right_logical3A_22 : vector<7168xi32>
    %bitcast_convert_type3A_24 = tpu.bitcast %mul3A_19 : vector<7168xf32> -> vector<7168xi32>
    %add3A_25 = arith.constant 32768 : i32
    %add3A_26 = vector.broadcast %add3A_25 : i32 to vector<7168xi32>
    %add3A_27 = arith.addi %bitcast_convert_type3A_24, %add3A_26 : vector<7168xi32>
    %and3A = arith.constant -65536 : i32
    %and3A_28 = vector.broadcast %and3A : i32 to vector<7168xi32>
    %and3A_29 = arith.andi %add3A_27, %and3A_28 : vector<7168xi32>
    %or3A = arith.ori %shift_right_logical3A_23, %and3A_29 : vector<7168xi32>
    %swap3A = arith.constant 0 : index
    %swap3A_30 = vector.load %arg5[%swap3A] : memref<7168xi32, #tpu.memory_space<vmem>>, vector<7168xi32>
    tpu.vector_store %arg5[%swap3A], %or3A {strides = array<i32>} : memref<7168xi32, #tpu.memory_space<vmem>>, vector<7168xi32>,
    %get3A_31 = arith.constant 0 : index
    %get3A_32 = memref.load %arg4[%get3A_31] : memref<1xf32, #tpu.memory_space<smem>>
    %broadcast_in_dim3A = vector.broadcast %get3A_32 : f32 to vector<16xf32>
    %swap3A_33 = arith.constant 0 : index
    %swap3A_34 = vector.load %arg6[%swap3A_33] : memref<16xf32, #tpu.memory_space<vmem>>, vector<16xf32>
    tpu.vector_store %arg6[%swap3A_33], %broadcast_in_dim3A {strides = array<i32>} : memref<16xf32, #tpu.memory_space<vmem>>, vector<16xf32>,
    return
  }
  func.func @transform_0(%arg0: i32) -> (i32, i32) {
    %c0_i32 = arith.constant 0 : i32
    %c0_i32_0 = arith.constant 0 : i32
    return %arg0, %c0_i32 : i32, i32
  }
  func.func @transform_1(%arg0: i32) -> (i32, i32) {
    %add3A = arith.constant 7 : i32
    %add3A_0 = arith.addi %arg0, %add3A : i32
    %c0_i32 = arith.constant 0 : i32
    %c0_i32_1 = arith.constant 0 : i32
    return %add3A_0, %c0_i32 : i32, i32
  }
  func.func @transform_2(%arg0: i32) -> (i32, i32) {
    %c0_i32 = arith.constant 0 : i32
    %c0_i32_0 = arith.constant 0 : i32
    %c0_i32_1 = arith.constant 0 : i32
    return %c0_i32, %c0_i32_0 : i32, i32
  }
  func.func @transform_3(%arg0: i32) -> i32 {
    %c0_i32 = arith.constant 0 : i32
    %c0_i32_0 = arith.constant 0 : i32
    return %c0_i32 : i32
  }
  func.func @transform_4(%arg0: i32) -> i32 {
    %c0_i32 = arith.constant 0 : i32
    return %arg0 : i32
  }
  func.func @transform_5(%arg0: i32) -> i32 {
    %c0_i32 = arith.constant 0 : i32
    %c0_i32_0 = arith.constant 0 : i32
    return %c0_i32 : i32
  }
}

</mosaic_0001>

<sc_bundles>
// kernel: kernel.4.cloned.1.call-start
scs
__scs_entry_jumppad:
0x0: {  	(pc) =	sbr.rel $0x88, $3  }
0x1: {  	(tag) =	ssettag $0x0;
	lr =	simm.s32 $0x1  }
0x2: {  	[smem:$0x3F9D] =	sst lr;
	_ =	strace $0xD0000000  }
0x3: {  	_ = 	snop  }
0x4: {  	_ = 	snop  }
0x5: {  	_ = 	snop  }
0x6: {  	_ = 	snop  }
0x7: {  	_ = 	snop  }
__scs_overlays_trampoline_lowered:
0x8: {  	[smem:$0x3FAC] =	sst s0  }
0x9: {  	[smem:$0x3FAD] =	sst s1  }
0xa: {  	[smem:$0x3FAE] =	sst s2  }
0xb: {  	[smem:$0x3FAF] =	sst s3  }
0xc: {  	[smem:$0x3FB0] =	sst s4  }
0xd: {  	[smem:$0x3FB1] =	sst s5  }
0xe: {  	[smem:$0x3FB2] =	sst s6  }
0xf: {  	[smem:$0x3FB3] =	sst s7  }
0x10: {  	[smem:$0x3FB4] =	sst s8  }
0x11: {  	[smem:$0x3FB5] =	sst s9;
	s0 =	simm.s32 @!p0 $0x0  }
0x12: {  	s1 =	sld [smem:$0x3F9B];
	s0 =	simm.s32 @p0 $0x1  }
0x13: {  	[smem:$0x3FB6] =	sst s0;
	s0 =	simm.s32 @!p1 $0x0  }
0x14: {  	s2 =	sld [smem:$0x3F9A];
	s0 =	simm.s32 @p1 $0x1  }
0x15: {  	[smem:$0x3FB7] =	sst s0;
	s0 =	simm.s32 @!p2 $0x0  }
0x16: {  	s3 =	sld [smem:$0x3FDB];
	s0 =	simm.s32 @p2 $0x1  }
0x17: {  	s4 =	simm.s32 $0x1BF5;
	[smem:$0x3FB9] =	sst s0  }
0x18: {  	s0 =	sld [smem:$0x3F9C];
	_ =	swait.ge [sflag:s4], $0x0  }
0x19: {  	s7 =	sld [smem:$0x3F9D]  }
0x1a: {  	s8 =	sadd.s32 $0xFFFFE003, lr  }
0x1b: {  	s9 =	sadd.s32 $0xFFFFFEF7, lr;
	s5 =	simm.s32 $0xFFFFFFFF;
	p2 =	slt.u32 s8, $0xFFFFF086  }
0x1c: {  	p1 =	slt.u32 s9, $0xF7A;
	s5 =	simm.s32 @!p2 $0x0  }
0x1d: {  	s5 =	simm.s32 @p1 $0x1;
	p0 =	seq.s32 s7, s2  }
0x1e: {  	s7 =	smul.u32 @!p0 $0xF7A, s2;
	p2 =	seq.s32 @!p0 s5, $0x0  }
0x1f: {  	s9 =	smul.u32 $0xF7A, s1;
	s8 =	simm.s32 @!p0 $0x1BF5;
	p2 =	por !p2, p0  }
0x20: {  	[sflag:s8] =	ssyncset.s32 @!p0 $0xFFFFF086;
	s6 =	sadd.s32 @!p0 s3, s7;
	s7 =	simm.s32 @!p0 $0x108  }
0x21: {  	s3 =	sadd.s32 s3, s9;
	s6 =	sadd.s32 @!p0 $0x88, s6;
	s7 =	simm.s32 @p2 $0x1082  }
0x22: {  	[simem:s7], [sflag:s8] =	dma.local @!p0 [hbm:s6], $0xF7A  }
0x23: {  	s9 =	sor.u32 $0xD0000000, s2;
	s6 =	simm.s32 $0x108;
	_ =	swait.ge @!p0 [sflag:s8], $0x0  }
0x24: {  	s3 =	sadd.s32 $0x88, s3;
	s6 =	simm.s32 @!p1 $0x1082;
	[sflag:s4] =	ssyncset.s32 $0xFFFFF086  }
0x25: {  	[simem:s6], [sflag:s4] =	dma.local [hbm:s3], $0xF7A  }
0x26: {  	[smem:$0x3F9D] =	sst s1;
	(tag) =	ssettag s2;
	_ =	strace s9  }
0x27: {  	s1 =	sld [smem:$0x3FAD]  }
0x28: {  	s2 =	sld [smem:$0x3FAE]  }
0x29: {  	s4 =	sld [smem:$0x3FB0]  }
0x2a: {  	p0 =	seq.s32 s5, $0x0;
	s5 =	sld [smem:$0x3FB1]  }
0x2b: {  	s6 =	sld [smem:$0x3FB2]  }
0x2c: {  	s7 =	sld [smem:$0x3FB3]  }
0x2d: {  	s3 =	simm.s32 $0x108;
	s8 =	sld [smem:$0x3FB4]  }
0x2e: {  	s3 =	simm.s32 @!p0 $0x1082;
	s9 =	sld [smem:$0x3FB5]  }
0x2f: {  	lr =	sadd.s32 s0, s3;
	s0 =	sld [smem:$0x3FAC]  }
0x30: {  	s3 =	sld [smem:$0x3FAF]  }
0x31: {  	[smem:$0x3FB8] =	sst s10  }
0x32: {  	s10 =	sld [smem:$0x3FB6];
	_ =	sdelay $0x3  }
0x33: {  	p0 =	seq.s32 s10, $0x1;
	s10 =	sld [smem:$0x3FB8];
	_ =	sdelay $0x3  }
0x34: {  	[smem:$0x3FB8] =	sst s10  }
0x35: {  	s10 =	sld [smem:$0x3FB7];
	_ =	sdelay $0x3  }
0x36: {  	p1 =	seq.s32 s10, $0x1;
	s10 =	sld [smem:$0x3FB8];
	_ =	sdelay $0x3  }
0x37: {  	[smem:$0x3FB8] =	sst s10  }
0x38: {  	s10 =	sld [smem:$0x3FB9]  }
0x39: {  	_ = 	snop;
	(pc) =	sbr.ind lr, $3  }
0x3a: {  	_ = 	snop  }
0x3b: {  	_ = 	snop  }
0x3c: {  	p2 =	seq.s32 s10, $0x1;
	s10 =	sld [smem:$0x3FB8]  }
0x3d: {  	_ =	shalt  }
0x3e: {  	_ =	shalt  }
0x3f: {  	_ =	shalt  }
0x40: {  	_ =	shalt  }
0x41: {  	_ =	shalt  }
0x42: {  	_ =	shalt  }
0x43: {  	_ =	shalt  }
0x44: {  	_ =	shalt  }
0x45: {  	_ =	shalt  }
0x46: {  	_ =	shalt  }
0x47: {  	_ =	shalt  }
0x48: {  	_ =	shalt  }
0x49: {  	_ =	shalt  }
0x4a: {  	_ =	shalt  }
0x4b: {  	_ =	shalt  }
0x4c: {  	_ =	shalt  }
0x4d: {  	_ =	shalt  }
0x4e: {  	_ =	shalt  }
0x4f: {  	_ =	shalt  }
0x50: {  	_ =	shalt  }
0x51: {  	_ =	shalt  }
0x52: {  	_ =	shalt  }
0x53: {  	_ =	shalt  }
0x54: {  	_ =	shalt  }
0x55: {  	_ =	shalt  }
0x56: {  	_ =	shalt  }
0x57: {  	_ =	shalt  }
0x58: {  	_ =	shalt  }
0x59: {  	_ =	shalt  }
0x5a: {  	_ =	shalt  }
0x5b: {  	_ =	shalt  }
0x5c: {  	_ =	shalt  }
0x5d: {  	_ =	shalt  }
0x5e: {  	_ =	shalt  }
0x5f: {  	_ =	shalt  }
0x60: {  	_ =	shalt  }
0x61: {  	_ =	shalt  }
0x62: {  	_ =	shalt  }
0x63: {  	_ =	shalt  }
0x64: {  	_ =	shalt  }
0x65: {  	_ =	shalt  }
0x66: {  	_ =	shalt  }
0x67: {  	_ =	shalt  }
0x68: {  	_ =	shalt  }
0x69: {  	_ =	shalt  }
0x6a: {  	_ =	shalt  }
0x6b: {  	_ =	shalt  }
0x6c: {  	_ =	shalt  }
0x6d: {  	_ =	shalt  }
0x6e: {  	_ =	shalt  }
0x6f: {  	_ =	shalt  }
0x70: {  	_ =	shalt  }
0x71: {  	_ =	shalt  }
0x72: {  	_ =	shalt  }
0x73: {  	_ =	shalt  }
0x74: {  	_ =	shalt  }
0x75: {  	_ =	shalt  }
0x76: {  	_ =	shalt  }
0x77: {  	_ =	shalt  }
0x78: {  	_ =	shalt  }
0x79: {  	_ =	shalt  }
0x7a: {  	_ =	shalt  }
0x7b: {  	_ =	shalt  }
0x7c: {  	_ =	shalt  }
0x7d: {  	_ =	shalt  }
0x7e: {  	_ =	shalt  }
0x7f: {  	_ =	shalt  }
0x80: {  	_ =	shalt  }
0x81: {  	_ =	shalt  }
0x82: {  	_ =	shalt  }
0x83: {  	_ =	shalt  }
0x84: {  	_ =	shalt  }
0x85: {  	_ =	shalt  }
0x86: {  	_ =	shalt  }
0x87: {  	_ =	shalt  }
.Lfunc_end0:
.L_simem_size_0:
called_computation_lowered:
.L_overlay_start_0:
0x88: {  	s2 =	sld [smem:$0x3FD9]  }
0x89: {  	s3 =	sld [smem:$0x3FFE];
	_ =	sdelay $0x1  }
0x8a: {  	s1 =	srdreg.scid  }
0x8b: {  	s0 =	sand.u32 $0x1, s1  }
0x8c: {  	s17 =	sshll.u32 s0, $0xA;
	s2 =	sadd.s32 s3, s2  }
0x8d: {  	s2 =	sadd.s32 s2, s17  }
0x8e: {  	[smem:$0x3FC4] =	sst s2  }
0x8f: {  	_ = 	snop  }
0x90: {  	s2 =	sld [smem:$0x3FC9]  }
0x91: {  	s18 =	sld [smem:$0x3FD0];
	(tm) =	ssettm $0x1  }
0x92: {  	s4 =	sld [smem:$0x3FFB];
	_ =	sdelay $0x3  }
0x93: {  	_ =	strace s4  }
0x94: {  	s4 =	sld [smem:$0x3FFC];
	_ =	sdelay $0x3  }
0x95: {  	_ =	strace s4  }
0x96: {  	s4 =	sld [smem:$0x3FFD];
	_ =	sdelay $0x3  }
0x97: {  	_ =	strace s4  }
0x98: {  	_ =	strace $0x8FFFFFFF  }
0x99: {  	s19 =	sld [smem:$0x3FDB];
	_ =	sdelay $0x1  }
0x9a: {  	s5 =	simm.s32 $_scs_section_size  }
0x9b: {  	s6 =	simm.s32 $_size__tile_overlayer_lowered;
	s7 =	simm.s32 $_tile_overlayer_lowered  }
0x9c: {  	s22 =	simm.s32 $0x1BFF;
	s21 =	sshll.u32 s7, $0x1;
	s4 =	sadd.s32 s5, s19  }
0x9d: {  	s8 =	simm.s32 $0x0;
	s20 =	sshll.u32 s6, $0x1;
	s6 =	sadd.s32 s21, s4  }
0x9e: {  	[timem:s8], [sflag:s22] =	dma.local [hbm:s6], s20  }
0x9f: {  	_ =	swait.ge [sflag:s22], s20  }
0xa0: {  	s5 =	ssub.s32 $0x0, s20;
	[sflag:s22] =	ssyncset.done $0x0  }
0xa1: {  	[sflag:s22] =	ssyncadd.s32 s5;
	_ =	sdelay $0x1  }
0xa2: {  	s23 =	simm.s32 $0x1B8B  }
0xa3: {  	_ =	swait.ge [sflag:s23], $0x1  }
0xa4: {  	[sflag:s23] =	ssyncset.done $0x0  }
0xa5: {  	s25 =	simm.s32 $0x1B8E;
	s24 =	sld [smem:$0x3FFE];
	[sflag:s23] =	ssyncadd.s32 $0xFFFFFFFF  }
0xa6: {  	s26 =	simm.s32 $execute0_lowered;
	[smem:$0x3FD2] =	sst s25  }
0xa7: {  	s6 =	sshll.u32 s26, $0x1;
	_ =	strace $0x80000046;
	[dreg:$0x1] =	wrdreg $0xFFFFFFFF  }
0xa8: {  	s28 =	simm.s32 $_size_execute0_lowered;
	s4 =	sadd.s32 s4, s6;
	[dreg:$0x0] =	wrdreg $0x0  }
0xa9: {  	s6 =	sshll.u32 s28, $0x1;
	[dreg:$0x2] =	wrdreg s4  }
0xaa: {  	[dreg:$0x3] =	wrdreg s6  }
0xab: {  	[dreg:$0x4] =	wrdreg $0xC0  }
0xac: {  	_ =	task [dreg:s8], $0x5FFFF  }
0xad: {  	[dreg:$0x1] =	wrdreg $0xFFFFFFFF  }
0xae: {  	[dreg:$0x0] =	wrdreg $0x60  }
0xaf: {  	[dreg:$0x2] =	wrdreg s24  }
0xb0: {  	[dreg:$0x3] =	wrdreg s2  }
0xb1: {  	[dreg:$0x4] =	wrdreg s18  }
0xb2: {  	[dreg:$0x5] =	wrdreg $0x9  }
0xb3: {  	_ =	task.clear_ibuf [dreg:s8], $0x6FFFF;
	_ =	strace $0x90000046  }
0xb4: {  	s29 =	simm.s32 $0x9;
	_ =	strace $0x80000048  }
0xb5: {  	_ =	swait.ge [sflag:s29], $0x1  }
0xb6: {  	[sflag:s29] =	ssyncadd.s32 $0xFFFFFFFF  }
0xb7: {  	_ =	strace $0x90000048  }
0xb8: {  	_ =	sfence  }
0xb9: {  	s30 =	sld [smem:$0x0];
	_ =	sdelay $0x2  }
0xba: {  	s31 =	sshll.u32 s1, $0xD;
	s1 =	sshrl.u32 s1, $0x2  }
0xbb: {  	s3 =	sand.u32 $0x4000, s31;
	s1 =	sadd.s32 s1, s30  }
0xbc: {  	s0 =	sor.u32 s3, s0;
	s1 =	sshll.u32 s1, $0x11  }
0xbd: {  	s0 =	sor.u32 s1, s0  }
0xbe: {  	s0 =	sadd.s32 $0x8F2B, s0  }
0xbf: {  	[sflag:s0] =	ssyncadd.remote.s32 $0x1  }
0xc0: {  	_ =	sfence.sel $0xFFFF  }
0xc1: {  	[dreg:$0x0] =	wrdreg $0xFFFFFFFF;
	(pc) =	sbr.abs _section_cstart, $3  }
0xc2: {  	[dreg:$0x1] =	wrdreg $0xFFFFFFFF  }
0xc3: {  	_ =	task.clear_ibuf [dreg:s8], $0x2FFFF;
	_ =	strace $0x9FFFFFFF  }
0xc4: {  	(tm) =	ssettm $0x7FFFFFFF  }
0xc5: {  	_ =	shalt  }
tec
execute0_lowered:
.L_overlay_start_1:
0x0: {  	(tag) =	ssettag $0x1  }
0x1: {  	s4 =	rddreg [dreg:$0x0]  }
0x2: {  	s5 =	rddreg [dreg:$0x1]  }
0x3: {  	s6 =	rddreg [dreg:$0x2]  }
0x4: {  	s0 =	rddreg [dreg:$0x3];
	s2 =	simm.s32 $0x0  }
0x5: {  	s3 =	srdreg.scid;
	s1 =	stileid.u32;
	s11 =	simm.s32 $0x12800  }
0x6: {  	s12 =	simm.s32 $0x1;
	s13 =	simm.s32 $0x2;
	s14 =	simm.s32 $0x3  }
0x7: {  	s15 =	simm.s32 $0x12880;
	s16 =	simm.s32 $0x4;
	s17 =	simm.s32 $0x0  }
0x8: {  	[smem:$0x7FF] =	sst s2;
	s7 =	sand.u32 $0x1, s3;
	s8 =	sshll.u32 s1, $0x1  }
0x9: {  	s3 =	sadd.s32 $0xC00, s4;
	s4 =	sadd.s32 $0x2600, s4;
	s9 =	ssub.s32 $0x2, s7  }
0xa: {  	_ =	strace $0x80000047;
	s7 =	sor.u32 s7, s8;
	s31 =	sshrl.u32 s9, $0x1  }
0xb: {  	s10 =	sshll.u32 s7, $0x7;
	s7 =	sshll.u32 s7, $0x4;
	s8 =	ssub.s32 s9, s31  }
0xc: {  	s5 =	sadd.s32 s5, s10;
	s6 =	sadd.s32 s6, s7;
	s9 =	simm.s32 $0x8000  }
0xd: {  	v0 =	vimm.s32 $0x0;
	s10 =	simm.s32 $0xC400;
	s7 =	smax.u32 s8, $0x1;
	s8 =	simm.s32 $0x400  }
.LBB2_1:
0xe: {  	[tilespmem:s10], [sflag:$0x2] =	stream.strided.gather [hbm4b:s5+s8], $0x6400, s9, s8, $0x38;
	[tilespmem:$0x12900] =	vst v63  }
0xf: {  	_ = 	snop  }
0x10: {  	[tilespmem:s2], [sflag:$0x1] =	stream.linear.gather [hbm4b:s3+s2], $0xC400, $0x38;
	[tilespmem:$0x12900] =	vst v63  }
0x11: {  	_ = 	snop  }
0x12: {  	[tilespmem:s11], [sflag:$0x3] =	stream.linear.gather [hbm4b:s4+s2], $0x80, $0x38;
	[tilespmem:$0x12900] =	vst v63  }
0x13: {  	_ =	swait.ge [sflag:s12], $0xC400  }
0x14: {  	[sflag:s12] =	ssyncset.done $0x0  }
0x15: {  	[sflag:s12] =	ssyncadd.s32 $0xFFFF3C00  }
0x16: {  	_ =	swait.ge [sflag:s13], $0x6400  }
0x17: {  	[sflag:s13] =	ssyncset.done $0x0  }
0x18: {  	[sflag:s13] =	ssyncadd.s32 $0xFFFF9C00  }
0x19: {  	_ =	swait.ge [sflag:s14], $0x80  }
0x1a: {  	[sflag:s14] =	ssyncset.done $0x0  }
0x1b: {  	s18 =	simm.s32 $0x0;
	[sflag:s14] =	ssyncadd.s32 $0xFFFFFF80  }
0x1c: {  	v1 =	vld [tilespmem:s18+$0xC4D0]  }
0x1d: {  	v2 =	vld [tilespmem:s18+$0xC470]  }
0x1e: {  	v3 =	vld [tilespmem:s18+$0xC4F0]  }
0x1f: {  	v4 =	vld [tilespmem:s18+$0xC410]  }
0x20: {  	v6 =	vld [tilespmem:s18+$0xC400]  }
0x21: {  	v7 =	vld [tilespmem:s18+$0xC450]  }
0x22: {  	v8 =	vld [tilespmem:s18+$0xC420]  }
0x23: {  	v9 =	vld [tilespmem:s18+$0xC480]  }
0x24: {  	v10 =	vld [tilespmem:s18+$0xC460]  }
0x25: {  	v12 =	vld [tilespmem:s18+$0xC430]  }
0x26: {  	v13 =	vld [tilespmem:s18+$0xC4E0]  }
0x27: {  	v5 =	vimm.f32 $0.0e+00;
	v14 =	vld [tilespmem:s18+$0xC440];
	vm10 =	vgt.s32 v1, $0xC3FF  }
0x28: {  	v19 =	vld [tilespmem:s18+$0xC490];
	vm8 =	vgt.s32 v7, $0xC3FF;
	vm3 =	vgt.s32 v4, $0xC3FF;
	vm12 =	vgt.s32 v2, $0xC3FF  }
0x29: {  	v22 =	vld [tilespmem:s18+$0xC4B0];
	vm2 =	vgt.s32 v6, $0xC3FF;
	vm7 =	vgt.s32 v8, $0xC3FF;
	vm6 =	vgt.s32 v10, $0xC3FF  }
0x2a: {  	vm0 =	vgt.s32 v9, $0xC3FF;
	vm4 =	vgt.s32 v12, $0xC3FF;
	v11 =	vsel vm10, $0xFFFF3C00, v0  }
0x2b: {  	vm15 =	vgt.s32 v3, $0xC3FF;
	v16 =	vsel vm8, $0xFFFF3C00, v0;
	v1 =	vadd.s32 v1, v11  }
0x2c: {  	vm13 =	vgt.s32 v13, $0xC3FF;
	v15 =	vsel vm12, $0xFFFF3C00, v0;
	v7 =	vadd.s32 v7, v16  }
0x2d: {  	s31 =	simm.s32 $0x100;
	vm1 =	vgt.s32 v14, $0xC3FF;
	vm5 =	vgt.s32 v19, $0xC3FF;
	v2 =	vadd.s32 v2, v15  }
0x2e: {  	v32 =	vld [tilespmem:s31+$0xC420];
	vm11 =	vgt.s32 v22, $0xC3FF;
	v17 =	vsel vm2, $0xFFFF3C00, v0;
	v15 =	vsel vm3, $0xFFFF3C00, v0  }
0x2f: {  	v18 =	vsel vm6, $0xFFFF3C00, v0;
	v20 =	vsel vm15, $0xFFFF3C00, v0;
	v11 =	vld [tilespmem:s18+$0xC4C0];
	v4 =	vadd.s32 v4, v15  }
0x30: {  	v21 =	vsel vm4, $0xFFFF3C00, v0;
	v23 =	vsel vm1, $0xFFFF3C00, v0;
	v10 =	vadd.s32 v10, v18;
	v1 =	vld.idx.msk [tilespmem:v1+s2+$0x0], $0xffff  }
0x31: {  	v16 =	vsel vm7, $0xFFFF3C00, v0;
	v18 =	vsel vm13, $0xFFFF3C00, v0;
	v12 =	vadd.s32 v12, v21;
	v7 =	vld.idx.msk [tilespmem:v7+s2+$0x0], $0xffff  }
0x32: {  	v6 =	vadd.s32 v6, v17;
	v14 =	vadd.s32 v14, v23;
	v8 =	vadd.s32 v8, v16;
	v2 =	vld.idx.msk [tilespmem:v2+s2+$0x0], $0xffff  }
0x33: {  	v3 =	vadd.s32 v3, v20;
	vm7 =	vmmov vm7;
	v23 =	vld [tilespmem:s31+$0xC470];
	v15 =	vsel vm0, $0xFFFF3C00, v0  }
0x34: {  	v9 =	vadd.s32 v9, v15;
	v15 =	vsel vm5, $0xFFFF3C00, v0;
	vm9 =	vgt.s32 v11, $0xC3FF;
	v4 =	vld.idx.msk [tilespmem:v4+s2+$0x0], $0xffff  }
0x35: {  	v13 =	vadd.s32 v13, v18;
	v15 =	vadd.s32 v19, v15;
	v10 =	vld.idx.msk [tilespmem:v10+s2+$0x0], $0xffff;
	v18 =	vsel vm9, $0xFFFF3C00, v0  }
0x36: {  	v12 =	vld.idx.msk [tilespmem:v12+s2+$0x0], $0xffff;
	v11 =	vadd.s32 v11, v18;
	v17 =	vand.u32 $0xFFFF0000, v1;
	v1 =	vshll.u32 v1, $0x10  }
0x37: {  	v8 =	vld.idx.msk [tilespmem:v8+s2+$0x0], $0xffff;
	v16 =	vand.u32 $0xFFFF0000, v7;
	v7 =	vshll.u32 v7, $0x10;
	v19 =	vshll.u32 v2, $0x10  }
0x38: {  	v18 =	vld [tilespmem:s18+$0xC4A0];
	v2 =	vand.u32 $0xFFFF0000, v2;
	v1 =	vsel vm10, v17, v1;
	v17 =	vsel vm11, $0xFFFF3C00, v0  }
0x39: {  	v6 =	vld.idx.msk [tilespmem:v6+s2+$0x0], $0xffff;
	vm10 =	vmmov vm15;
	v21 =	vshll.u32 v4, $0x10;
	v2 =	vsel vm12, v2, v19  }
0x3a: {  	v15 =	vld.idx.msk [tilespmem:v15+s2+$0x0], $0xffff;
	v4 =	vand.u32 $0xFFFF0000, v4;
	v7 =	vsel vm8, v16, v7;
	v16 =	vshll.u32 v10, $0x10  }
0x3b: {  	v14 =	vld.idx.msk [tilespmem:v14+s2+$0x0], $0xffff;
	v19 =	vshll.u32 v12, $0x10;
	v10 =	vand.u32 $0xFFFF0000, v10;
	v12 =	vand.u32 $0xFFFF0000, v12  }
0x3c: {  	v13 =	vld.idx.msk [tilespmem:v13+s2+$0x0], $0xffff;
	v26 =	vshll.u32 v8, $0x10;
	vm12 =	vgt.s32 v32, $0xC3FF;
	v17 =	vadd.s32 v22, v17  }
0x3d: {  	v9 =	vld.idx.msk [tilespmem:v9+s2+$0x0], $0xffff;
	vm14 =	vgt.s32 v18, $0xC3FF;
	v24 =	vadd.f32 v2, v5;
	v4 =	vsel vm3, v4, v21  }
0x3e: {  	v11 =	vld.idx.msk [tilespmem:v11+s2+$0x0], $0xffff;
	v12 =	vsel vm4, v12, v19;
	v7 =	vadd.f32 v7, v5;
	v33 =	vsel vm12, $0xFFFF3C00, v0  }
0x3f: {  	v19 =	vld [tilespmem:s31+$0xC410];
	v20 =	vsel vm14, $0xFFFF3C00, v0;
	v22 =	vand.u32 $0xFFFF0000, v15;
	v15 =	vshll.u32 v15, $0x10  }
0x40: {  	v25 =	vadd.f32 v4, v5;
	v4 =	vshll.u32 v14, $0x10;
	v27 =	vadd.f32 v12, v5;
	v12 =	vld [tilespmem:s31+$0xC450]  }
0x41: {  	v14 =	vand.u32 $0xFFFF0000, v14;
	v18 =	vadd.s32 v18, v20;
	v1 =	vadd.f32 v1, v7;
	v7 =	vld [tilespmem:s31+$0xC430]  }
0x42: {  	v20 =	vand.u32 $0xFFFF0000, v13;
	v13 =	vshll.u32 v13, $0x10;
	v15 =	vsel vm5, v22, v15;
	v22 =	vld [tilespmem:s31+$0xC4C0]  }
0x43: {  	v14 =	vsel vm1, v14, v4;
	v13 =	vsel vm13, v20, v13;
	v20 =	vld.idx.msk [tilespmem:v3+s2+$0x0], $0xffff;
	v3 =	vsel vm6, v10, v16  }
0x44: {  	v10 =	vshll.u32 v9, $0x10;
	v16 =	vld [tilespmem:s31+$0xC4D0];
	v9 =	vand.u32 $0xFFFF0000, v9;
	v21 =	vadd.f32 v3, v5  }
0x45: {  	v29 =	vld [tilespmem:s31+$0xC400];
	v10 =	vsel vm0, v9, v10;
	v2 =	vand.u32 $0xFFFF0000, v11;
	v11 =	vshll.u32 v11, $0x10  }
0x46: {  	v17 =	vld.idx.msk [tilespmem:v17+s2+$0x0], $0xffff;
	vm3 =	vgt.s32 v19, $0xC3FF;
	v2 =	vsel vm9, v2, v11;
	vm6 =	vgt.s32 v12, $0xC3FF  }
0x47: {  	vm9 =	vgt.s32 v23, $0xC3FF;
	v4 =	vadd.f32 v13, v21;
	v11 =	vld.idx.msk [tilespmem:v18+s2+$0x0], $0xffff;
	v18 =	vshll.u32 v6, $0x10  }
0x48: {  	v6 =	vand.u32 $0xFFFF0000, v6;
	v21 =	vsel vm6, $0xFFFF3C00, v0;
	vm5 =	vgt.s32 v7, $0xC3FF  }
0x49: {  	v13 =	vld [tilespmem:s31+$0xC440];
	vm4 =	vgt.s32 v22, $0xC3FF;
	v6 =	vsel vm2, v6, v18;
	vm13 =	vgt.s32 v16, $0xC3FF  }
0x4a: {  	v9 =	vld [tilespmem:s31+$0xC4E0];
	v28 =	vand.u32 $0xFFFF0000, v20;
	v20 =	vshll.u32 v20, $0x10;
	vm2 =	vgt.s32 v29, $0xC3FF  }
0x4b: {  	v12 =	vadd.s32 v12, v21;
	v36 =	vsel vm4, $0xFFFF3C00, v0;
	v30 =	vsel vm13, $0xFFFF3C00, v0  }
0x4c: {  	v3 =	vld [tilespmem:s31+$0xC4F0];
	v34 =	vsel vm2, $0xFFFF3C00, v0;
	v18 =	vand.u32 $0xFFFF0000, v17;
	v17 =	vshll.u32 v17, $0x10  }
0x4d: {  	v36 =	vadd.s32 v22, v36;
	v16 =	vadd.s32 v16, v30;
	v17 =	vsel vm11, v18, v17  }
0x4e: {  	v18 =	vld [tilespmem:s31+$0xC460];
	vm1 =	vgt.s32 v13, $0xC3FF;
	v31 =	vand.u32 $0xFFFF0000, v11;
	v11 =	vshll.u32 v11, $0x10  }
0x4f: {  	v35 =	vld [tilespmem:s31+$0xC490];
	vm11 =	vgt.s32 v9, $0xC3FF;
	v38 =	vsel vm1, $0xFFFF3C00, v0;
	v11 =	vsel vm14, v31, v11  }
0x50: {  	v31 =	vand.u32 $0xFFFF0000, v8;
	v8 =	vadd.f32 v6, v5;
	v6 =	vsel vm9, $0xFFFF3C00, v0  }
0x51: {  	vm14 =	vgt.s32 v3, $0xC3FF;
	v23 =	vadd.s32 v23, v6;
	v6 =	vadd.f32 v15, v25  }
0x52: {  	v37 =	vld [tilespmem:s31+$0xC4B0];
	v25 =	vsel vm3, $0xFFFF3C00, v0;
	v15 =	vadd.f32 v14, v5;
	v14 =	vsel vm14, $0xFFFF3C00, v0  }
0x53: {  	v30 =	vld [tilespmem:s31+$0xC480];
	v26 =	vsel vm7, v31, v26;
	v25 =	vadd.s32 v19, v25;
	vm8 =	vgt.s32 v18, $0xC3FF  }
0x54: {  	v31 =	vsel vm5, $0xFFFF3C00, v0;
	vm7 =	vgt.s32 v35, $0xC3FF;
	v21 =	vsel vm8, $0xFFFF3C00, v0  }
0x55: {  	v16 =	vld.idx.msk [tilespmem:v16+s2+$0x0], $0xffff;
	v5 =	vadd.f32 v26, v5;
	v21 =	vadd.s32 v18, v21;
	v18 =	vsel vm11, $0xFFFF3C00, v0  }
0x56: {  	v2 =	vadd.f32 v2, v15;
	v39 =	vadd.s32 v9, v18;
	v15 =	vld.idx.msk [tilespmem:v23+s2+$0x0], $0xffff;
	v23 =	vadd.s32 v29, v34  }
0x57: {  	v29 =	vld.idx.msk [tilespmem:v12+s2+$0x0], $0xffff;
	v9 =	vadd.f32 v17, v27;
	v27 =	vsel vm10, v28, v20;
	vm10 =	vgt.s32 v37, $0xC3FF  }
0x58: {  	vm15 =	vgt.s32 v30, $0xC3FF;
	v5 =	vadd.f32 v11, v5;
	v20 =	vld.idx.msk [tilespmem:v25+s2+$0x0], $0xffff;
	v25 =	vsel vm10, $0xFFFF3C00, v0  }
0x59: {  	v18 =	vadd.s32 v7, v31;
	v11 =	vadd.f32 v27, v24;
	v24 =	vadd.s32 v37, v25;
	v25 =	vld.idx.msk [tilespmem:v36+s2+$0x0], $0xffff  }
0x5a: {  	v7 =	vsel vm15, $0xFFFF3C00, v0;
	v19 =	vand.u32 $0xFFFF0000, v16;
	v26 =	vshll.u32 v16, $0x10;
	v12 =	vld.idx.msk [tilespmem:v21+s2+$0x0], $0xffff  }
0x5b: {  	v16 =	vadd.s32 v13, v38;
	v22 =	vadd.s32 v30, v7;
	v13 =	vsel vm7, $0xFFFF3C00, v0;
	v21 =	vld [tilespmem:s31+$0xC4A0]  }
0x5c: {  	v17 =	vadd.s32 v32, v33;
	v7 =	vsel vm13, v19, v26;
	v26 =	vadd.s32 v35, v13;
	v19 =	vld.idx.msk [tilespmem:v39+s2+$0x0], $0xffff  }
0x5d: {  	s18 =	simm.s32 $0x800;
	v13 =	vld.idx.msk [tilespmem:v23+s2+$0x0], $0xffff;
	v23 =	vand.u32 $0xFFFF0000, v29;
	v27 =	vshll.u32 v29, $0x10;
	v28 =	vshll.u32 v15, $0x10  }
.LBB2_2:
0x5e: {  	_ = 	snop  }
0x5f: {  	v18 =	vld.idx.msk [tilespmem:v18+s2+$0x0], $0xffff;
	v3 =	vadd.s32 v3, v14;
	v8 =	vadd.f32 v10, v8;
	vm0 =	vmmov vm12  }
0x60: {  	v10 =	vld.idx.msk [tilespmem:v22+s2+$0x0], $0xffff;
	v22 =	vimm.s32 $0x0;
	v15 =	vand.u32 $0xFFFF0000, v15;
	v23 =	vsel vm6, v23, v27  }
0x61: {  	v16 =	vld.idx.msk [tilespmem:v16+s2+$0x0], $0xffff;
	v22 =	vsel vm0, $0xFFFFFFFF, v22;
	v15 =	vsel vm9, v15, v28;
	v1 =	vadd.f32 v23, v1  }
0x62: {  	s19 =	sshra.s32 s18, $0x2;
	v17 =	vld.idx.msk [tilespmem:v17+s2+$0x0], $0xffff;
	vm0 =	vmmov vm14;
	[tilespmem:$0x1FFE0] =	vst v22;
	v22 =	vimm.s32 $0x0;
	v11 =	vadd.f32 v15, v11  }
0x63: {  	v29 =	vld [tilespmem:s19+$0xC4D0];
	v22 =	vsel vm0, $0xFFFFFFFF, v22;
	v1 =	vadd.f32 v7, v1;
	vm13 =	vgt.s32 v21, $0xC3FF  }
0x64: {  	[tilespmem:$0x1FFF0] =	vst v22;
	v22 =	vld.idx.msk [tilespmem:v26+s2+$0x0], $0xffff;
	v26 =	vshll.u32 v20, $0x10;
	v20 =	vand.u32 $0xFFFF0000, v20;
	v27 =	vshll.u32 v12, $0x10  }
0x65: {  	v15 =	vld.idx.msk [tilespmem:v24+s2+$0x0], $0xffff;
	v24 =	vand.u32 $0xFFFF0000, v25;
	v25 =	vshll.u32 v25, $0x10;
	v12 =	vand.u32 $0xFFFF0000, v12  }
0x66: {  	v33 =	vld [tilespmem:s19+$0xC420];
	v30 =	vshll.u32 v13, $0x10;
	v13 =	vand.u32 $0xFFFF0000, v13;
	v14 =	vsel vm13, $0xFFFF3C00, v0  }
0x67: {  	v35 =	vld [tilespmem:s19+$0xC430];
	v28 =	vshll.u32 v18, $0x10;
	v18 =	vand.u32 $0xFFFF0000, v18;
	v24 =	vsel vm4, v24, v25  }
0x68: {  	v20 =	vsel vm3, v20, v26;
	v13 =	vsel vm2, v13, v30;
	v31 =	vshll.u32 v17, $0x10  }
0x69: {  	v17 =	vand.u32 $0xFFFF0000, v17;
	v14 =	vadd.s32 v21, v14;
	v21 =	vand.u32 $0xFFFF0000, v19  }
0x6a: {  	v37 =	vld [tilespmem:s19+$0xC4B0];
	v19 =	vshll.u32 v19, $0x10;
	v6 =	vadd.f32 v20, v6;
	v20 =	vshll.u32 v16, $0x10  }
0x6b: {  	v7 =	vld [tilespmem:s19+$0xC4C0];
	v18 =	vsel vm5, v18, v28;
	vm0 =	vgt.s32 v29, $0xC3FF;
	v16 =	vand.u32 $0xFFFF0000, v16  }
0x6c: {  	v26 =	vld [tilespmem:s19+$0xC410];
	v8 =	vadd.f32 v13, v8;
	vm12 =	vgt.s32 v33, $0xC3FF;
	vm5 =	vgt.s32 v35, $0xC3FF  }
0x6d: {  	v19 =	vsel vm11, v21, v19;
	v21 =	vld.idx.msk [tilespmem:v3+s2+$0x0], $0xffff;
	v3 =	vsel vm8, v12, v27;
	v12 =	vshll.u32 v10, $0x10  }
0x6e: {  	v25 =	vld [tilespmem:s19+$0xC470];
	v28 =	vand.u32 $0xFFFF0000, v15;
	v9 =	vadd.f32 v18, v9;
	v15 =	vshll.u32 v15, $0x10  }
0x6f: {  	v18 =	vld [tilespmem:s19+$0xC450];
	v10 =	vand.u32 $0xFFFF0000, v10;
	v13 =	vsel vm1, v16, v20;
	v4 =	vadd.f32 v3, v4  }
0x70: {  	v28 =	vsel vm10, v28, v15;
	v15 =	vld [tilespmem:s19+$0xC460];
	v10 =	vsel vm15, v10, v12;
	vm4 =	vgt.s32 v7, $0xC3FF  }
0x71: {  	v30 =	vld [tilespmem:s19+$0xC400];
	v2 =	vadd.f32 v13, v2;
	vm10 =	vgt.s32 v37, $0xC3FF;
	v27 =	vand.u32 $0xFFFF0000, v22  }
0x72: {  	v22 =	vshll.u32 v22, $0x10;
	v38 =	vsel vm4, $0xFFFF3C00, v0;
	vm3 =	vgt.s32 v26, $0xC3FF  }
0x73: {  	v16 =	vld [tilespmem:s19+$0xC440];
	v23 =	vand.u32 $0xFFFF0000, v21;
	v32 =	vshll.u32 v21, $0x10;
	v21 =	vsel vm0, $0xFFFF3C00, v0  }
0x74: {  	v20 =	vld [tilespmem:s19+$0xC4E0];
	vm9 =	vgt.s32 v25, $0xC3FF;
	vm6 =	vgt.s32 v18, $0xC3FF;
	v21 =	vadd.s32 v29, v21  }
0x75: {  	v4 =	vadd.f32 v19, v4;
	v14 =	vld.idx.msk [tilespmem:v14+s2+$0x0], $0xffff;
	v12 =	vsel vm6, $0xFFFF3C00, v0;
	vm8 =	vgt.s32 v15, $0xC3FF  }
0x76: {  	vm2 =	vgt.s32 v30, $0xC3FF;
	v29 =	vld [tilespmem:s19+$0xC480];
	v12 =	vadd.s32 v18, v12;
	v18 =	vsel vm8, $0xFFFF3C00, v0  }
0x77: {  	v38 =	vadd.s32 v7, v38;
	v19 =	vsel vm9, $0xFFFF3C00, v0;
	v36 =	vadd.s32 v15, v18;
	v15 =	vld [tilespmem:$0x1FFE0]  }
0x78: {  	v13 =	vsel vm2, $0xFFFF3C00, v0;
	v19 =	vadd.s32 v25, v19;
	v25 =	vsel vm12, $0xFFFF3C00, v0  }
0x79: {  	vm1 =	vgt.s32 v16, $0xC3FF;
	vm11 =	vgt.s32 v20, $0xC3FF;
	v13 =	vadd.s32 v30, v13;
	v21 =	vld.idx.msk [tilespmem:v21+s2+$0x0], $0xffff  }
0x7a: {  	v18 =	vsel vm11, $0xFFFF3C00, v0;
	v34 =	vand.u32 $0xFFFF0000, v14;
	v14 =	vshll.u32 v14, $0x10  }
0x7b: {  	v3 =	vld [tilespmem:s19+$0xC4F0];
	v34 =	vsel vm13, v34, v14;
	v14 =	vsel vm7, v27, v22;
	vm15 =	vgt.s32 v29, $0xC3FF  }
0x7c: {  	v22 =	vsel vm3, $0xFFFF3C00, v0;
	v27 =	vld [tilespmem:s19+$0xC490];
	v7 =	vsel vm15, $0xFFFF3C00, v0;
	vm7 =	vnez.u8 v15  }
0x7d: {  	v15 =	vld.idx.msk [tilespmem:v19+s2+$0x0], $0xffff;
	v19 =	vadd.s32 v20, v18;
	v20 =	vadd.s32 v26, v22;
	v17 =	vsel vm7, v17, v31  }
0x7e: {  	v5 =	vadd.f32 v17, v5;
	v17 =	vand.u32 $0xFFFF0000, v21;
	v26 =	vshll.u32 v21, $0x10  }
0x7f: {  	v22 =	vadd.s32 v29, v7;
	v7 =	vsel vm0, v17, v26;
	v17 =	vadd.s32 v33, v25;
	v25 =	vld [tilespmem:$0x1FFF0]  }
0x80: {  	v9 =	vadd.f32 v28, v9;
	v2 =	vadd.f32 v24, v2;
	v24 =	vsel vm1, $0xFFFF3C00, v0;
	v30 =	vld.idx.msk [tilespmem:v12+s2+$0x0], $0xffff  }
0x81: {  	p0 =	sne.s32 s18, $0x18C00;
	vm14 =	vgt.s32 v3, $0xC3FF;
	v16 =	vadd.s32 v16, v24;
	v13 =	vld.idx.msk [tilespmem:v13+s2+$0x0], $0xffff;
	vm7 =	vgt.s32 v27, $0xC3FF  }
.Ltmp0:
0x82: {  	v6 =	vadd.f32 v14, v6;
	v12 =	vld.idx.msk [tilespmem:v36+s2+$0x0], $0xffff;
	v31 =	vsel vm5, $0xFFFF3C00, v0;
	v24 =	vsel vm7, $0xFFFF3C00, v0;
	(pc) =	sbr.rel @p0 .LBB2_2-.Ltmp0, $4  }
0x83: {  	v14 =	vsel vm14, $0xFFFF3C00, v0;
	v18 =	vadd.s32 v35, v31;
	v21 =	vld [tilespmem:s19+$0xC4A0];
	v26 =	vadd.s32 v27, v24  }
0x84: {  	v5 =	vadd.f32 v34, v5;
	v24 =	vsel vm10, $0xFFFF3C00, v0;
	v19 =	vld.idx.msk [tilespmem:v19+s2+$0x0], $0xffff;
	vm0 =	vnez.u8 v25  }
0x85: {  	v27 =	vshll.u32 v30, $0x10;
	v20 =	vld.idx.msk [tilespmem:v20+s2+$0x0], $0xffff;
	v28 =	vshll.u32 v15, $0x10;
	v25 =	vsel vm0, v23, v32  }
0x86: {  	s18 =	sadd.s32 $0x400, s18;
	v24 =	vadd.s32 v37, v24;
	v23 =	vand.u32 $0xFFFF0000, v30;
	v11 =	vadd.f32 v25, v11;
	v25 =	vld.idx.msk [tilespmem:v38+s2+$0x0], $0xffff  }
0x87: {  	_ =	sdelay $0x1  }
0x88: {  	v3 =	vadd.s32 v3, v14;
	v8 =	vadd.f32 v10, v8;
	vm12 =	vmmov vm12  }
0x89: {  	vm0 =	vmmov vm14;
	v15 =	vand.u32 $0xFFFF0000, v15;
	v23 =	vsel vm6, v23, v27  }
0x8a: {  	v36 =	vld.idx.msk [tilespmem:v18+s2+$0x0], $0xffff;
	v44 =	vshll.u32 v12, $0x10;
	v48 =	vand.u32 $0xFFFF0000, v12;
	v51 =	vshll.u32 v13, $0x10  }
0x8b: {  	v38 =	vld.idx.msk [tilespmem:v22+s2+$0x0], $0xffff;
	v52 =	vand.u32 $0xFFFF0000, v13;
	vm13 =	vgt.s32 v21, $0xC3FF;
	v15 =	vsel vm9, v15, v28  }
0x8c: {  	v40 =	vld.idx.msk [tilespmem:v26+s2+$0x0], $0xffff;
	v12 =	vsel vm8, v48, v44;
	v1 =	vadd.f32 v23, v1;
	v37 =	vsel vm13, $0xFFFF3C00, v0  }
0x8d: {  	v16 =	vld.idx.msk [tilespmem:v16+s2+$0x0], $0xffff;
	v39 =	vand.u32 $0xFFFF0000, v19;
	v42 =	vshll.u32 v19, $0x10;
	v11 =	vadd.f32 v15, v11  }
0x8e: {  	v17 =	vld.idx.msk [tilespmem:v17+s2+$0x0], $0xffff;
	v4 =	vadd.f32 v12, v4;
	v12 =	vsel vm2, v52, v51;
	v14 =	vadd.s32 v21, v37  }
0x8f: {  	v24 =	vld.idx.msk [tilespmem:v24+s2+$0x0], $0xffff;
	v41 =	vshll.u32 v20, $0x10;
	v43 =	vand.u32 $0xFFFF0000, v20;
	v19 =	vsel vm11, v39, v42  }
0x90: {  	v8 =	vadd.f32 v12, v8;
	v1 =	vadd.f32 v7, v1;
	v45 =	vand.u32 $0xFFFF0000, v25  }
0x91: {  	v58 =	vld [tilespmem:$0x12800];
	v46 =	vshll.u32 v25, $0x10;
	v20 =	vsel vm3, v43, v41;
	v4 =	vadd.f32 v19, v4  }
0x92: {  	v47 =	vshll.u32 v36, $0x10;
	v10 =	vand.u32 $0xFFFF0000, v36;
	v49 =	vshll.u32 v38, $0x10  }
0x93: {  	v50 =	vand.u32 $0xFFFF0000, v40;
	v22 =	vshll.u32 v40, $0x10;
	v6 =	vadd.f32 v20, v6  }
0x94: {  	v53 =	vshll.u32 v16, $0x10;
	v54 =	vand.u32 $0xFFFF0000, v24;
	v55 =	vshll.u32 v17, $0x10  }
0x95: {  	v57 =	vshll.u32 v24, $0x10;
	v16 =	vand.u32 $0xFFFF0000, v16;
	v18 =	vand.u32 $0xFFFF0000, v38  }
0x96: {  	v17 =	vand.u32 $0xFFFF0000, v17;
	v3 =	vld.idx.msk [tilespmem:v3+s2+$0x0], $0xffff;
	v61 =	vsel vm4, v45, v46;
	v1 =	vadd.f32 v58, v1  }
0x97: {  	v10 =	vsel vm5, v10, v47;
	v18 =	vsel vm15, v18, v49;
	v17 =	vsel vm12, v17, v55  }
0x98: {  	v13 =	vsel vm1, v16, v53;
	v9 =	vadd.f32 v10, v9;
	v8 =	vadd.f32 v18, v8;
	v14 =	vld.idx.msk [tilespmem:v14+s2+$0x0], $0xffff  }
0x99: {  	v59 =	vsel vm7, v50, v22;
	v5 =	vadd.f32 v17, v5;
	v2 =	vadd.f32 v13, v2  }
0x9a: {  	v60 =	vsel vm10, v54, v57;
	v6 =	vadd.f32 v59, v6;
	v8 =	vadd.f32 v58, v8  }
0x9b: {  	v2 =	vadd.f32 v61, v2;
	v62 =	vand.u32 $0xFFFF0000, v3;
	v3 =	vshll.u32 v3, $0x10  }
0x9c: {  	[tilespmem:$0x128D0] =	vst v1;
	v9 =	vadd.f32 v60, v9;
	v6 =	vadd.f32 v58, v6;
	v3 =	vsel vm0, v62, v3  }
0x9d: {  	[tilespmem:$0x12880] =	vst v8;
	v2 =	vadd.f32 v58, v2;
	v56 =	vand.u32 $0xFFFF0000, v14;
	v14 =	vshll.u32 v14, $0x10  }
0x9e: {  	[tilespmem:$0x12890] =	vst v6;
	v63 =	vadd.f32 v58, v9;
	v3 =	vadd.f32 v3, v11;
	v10 =	vsel vm13, v56, v14  }
0x9f: {  	[tilespmem:$0x128C0] =	vst v2;
	v2 =	vadd.f32 v58, v4;
	v5 =	vadd.f32 v10, v5  }
0xa0: {  	[tilespmem:$0x128B0] =	vst v63;
	v1 =	vadd.f32 v58, v3  }
0xa1: {  	s17 =	sadd.s32 $0x1, s17;
	[tilespmem:$0x128E0] =	vst v2;
	v5 =	vadd.f32 v58, v5  }
0xa2: {  	p0 =	sne.s32 s17, s7;
	[tilespmem:$0x128F0] =	vst v1  }
.Ltmp1:
0xa3: {  	[tilespmem:$0x128A0] =	vst v5;
	(pc) =	sbr.rel @p0 .LBB2_1-.Ltmp1, $4  }
0xa4: {  	[hbm4b:s6+s2] =	stream.linear.scatter [tilespmem:s15], [sflag:$0x4], $0x80, $0x38;
	[tilespmem:$0x12900] =	vst v63  }
0xa5: {  	_ =	swait.ge [sflag:s16], $0x80  }
0xa6: {  	[sflag:s16] =	ssyncset.done $0x0  }
0xa7: {  	[sflag:s16] =	ssyncadd.s32 $0xFFFFFF80  }
0xa8: {  	_ =	sfence.sel $0x180000  }
0xa9: {  	[bflag:$0x0] =	sbarrier.arrive $0xFFFF  }
0xaa: {  	p0 =	sne.s32 s1, $0x0;
	_ =	strace $0x90000047  }
0xab: {  	s0 =	sadd.s32 @!p0 $0x100000, s0;
	[bflag:$0x2] =	sbarrier.arrive $0xFFFF  }
0xac: {  	[sflag:s0] =	ssyncadd.tile.s32 @!p0 $0x1;
	_ =	shalt  }
.Lfunc_end2:
_tile_overlayer_lowered:
.L_overlay_start_2:
0xad: {  	(tag) =	ssettag $0x2  }
0xae: {  	s0 =	rddreg [dreg:$0x0];
	s2 =	stileid.u32  }
0xaf: {  	s1 =	rddreg [dreg:$0x1];
	p0 =	sne.s32 s2, $0x0  }
0xb0: {  	s3 =	rddreg [dreg:$0x2];
	[bflag:$0x3] =	sbarrier.arrive $0xFFFF;
	s2 =	simm.s32 @!p0 $0x1C04  }
0xb1: {  	[timem:s3], [sflag:s2] =	dma.local @!p0 [hbm:s0], s1  }
0xb2: {  	s0 =	simm.s32 @!p0 $0x4  }
0xb3: {  	_ =	swait.ge @!p0 [sflag:s0], s1  }
0xb4: {  	s1 =	ssub.s32 @!p0 $0x0, s1;
	[sflag:s0] =	ssyncset.done @!p0 $0x0  }
0xb5: {  	[sflag:s0] =	ssyncadd.s32 @!p0 s1  }
0xb6: {  	[bflag:$0x3] =	sbarrier.arrive $0xFFFF  }
0xb7: {  	_ =	shalt  }

</sc_bundles>
